<compile_context>
chip_gen: v7x
topology: tpu7x:2x2x1
jax: 0.10.2.dev20260603
libtpu: 0.0.44.dev20260713+nightly
codegen_flags: <defaults>
</compile_context>

<pallas_src>
import math

import jax
import jax.numpy as jnp
from jax import lax
from jax.experimental import pallas as pl
from jax.experimental.pallas import tpu as pltpu
from jax.experimental.pallas import tpu_sc as plsc

_L = 4096
_NB = 32
_MAXD = 128
_TBL = 2 * _L
_NROWS = 128
_TR_PER_TEC = 16


def _u_body(bias_ref, u_ref):
    w = _TBL + 2 * _NROWS
    p0, pw = 3952, 384
    b = lax.broadcasted_iota(jnp.int32, (8, pw), 0)
    m = lax.broadcasted_iota(jnp.int32, (8, pw), 1)
    rel = jnp.abs((7 - b) + (m + p0) - (_L - 1))
    half = _NB // 2
    small = rel < half
    log_rel = jnp.log(rel.astype(jnp.float32) / half + 1e-06)
    log_max = math.log(max(_MAXD / half, 1.0))
    scaled = log_rel / (log_max + 1e-06) * (_NB - half - 1)
    large = (half + jnp.clip(jnp.floor(scaled), 0, _NB - half - 1)).astype(
        jnp.int32)
    bucket = jnp.where(small, rel, large)
    patch = jnp.zeros((8, pw), jnp.float32)
    for k in range(_NB):
        patch = patch + jnp.where(bucket == k, bias_ref[k], 0.0)
    c31 = jnp.full((8, p0), bias_ref[_NB - 1], jnp.float32)
    c31r = jnp.full((8, w - p0 - pw), bias_ref[_NB - 1], jnp.float32)
    acc = jnp.concatenate([c31, patch, c31r], axis=1)
    for rho in range(16):
        u_ref[8 * rho:8 * rho + 8, :] = lax.slice(
            acc, (0, 8 * rho), (8, 8 * rho + _TBL))


def _fanout_body(u_hbm, out_hbm, u_v, sem_in, sem_out):
    wid = lax.axis_index("s") * 2 + lax.axis_index("c")
    rho = wid >> 1
    half = wid & 1
    u0 = half * _TR_PER_TEC
    rows = u_hbm.at[pl.ds(pl.multiple_of(8 * rho, 8), 8), :]
    lane0 = pl.multiple_of(2048 - half * 2048, 2048)
    w1 = pltpu.async_copy(rows.at[:, pl.ds(lane0, _L)],
                          u_v.at[:, pl.ds(lane0, _L)], sem_in)
    w2 = pltpu.async_copy(rows.at[:, pl.ds(lane0 + _L, 2048)],
                          u_v.at[:, pl.ds(lane0 + _L, 2048)], sem_in)
    w1.wait()

    copies = []
    for v in range(_TR_PER_TEC):
        u = u0 + (_TR_PER_TEC - 1 - v)
        tr = 15 - rho + 16 * u
        k0 = 31 - u
        copies.append(
            pltpu.async_copy(
                u_v.at[:, pl.ds(pl.multiple_of(128 * k0, 128), _L)],
                out_hbm.at[pl.ds(pl.multiple_of(8 * tr, 8), 8), :],
                sem_out,
            )
        )
        if v == 0:
            w2.wait()
    for c in copies:
        c.wait()


@jax.jit
def _impl(bias):
    u = pl.pallas_call(
        _u_body,
        in_specs=[pl.BlockSpec(memory_space=pltpu.SMEM)],
        out_specs=pl.BlockSpec(memory_space=pltpu.VMEM),
        out_shape=jax.ShapeDtypeStruct((_NROWS, _TBL), jnp.float32),
    )(bias)
    fanout = pl.kernel(
        _fanout_body,
        out_type=jax.ShapeDtypeStruct((_L, _L), jnp.float32),
        mesh=plsc.VectorSubcoreMesh(core_axis_name="c", subcore_axis_name="s"),
        scratch_types=[
            pltpu.VMEM((8, _TBL), jnp.float32),
            pltpu.SemaphoreType.DMA,
            pltpu.SemaphoreType.DMA,
        ],
    )
    return fanout(u)


def kernel(bias, L):
    return _impl(bias)

# --- scband reference (transcript-rebuilt; emitter-appended) ---
"""Pipeline reference for scband-relative-position-bias-46677704573101 (READ-ONLY COPY).

The authoritative reference and input builder live on the scoring server;
editing this copy changes nothing except your own understanding.
"""

import math
import jax, jax.numpy as jnp
import numpy as np

N_BUCKETS = 32
MAX_DISTANCE = 128


def setup_inputs(seed: int = 0) -> dict:
    key = jax.random.key(seed)
    bias = jax.random.normal(key, (N_BUCKETS,), dtype=jnp.float32) * 0.02
    return {"bias": bias, "L": 4096}


def _bucket(rel, n, max_d):
    half = n // 2
    small = rel < half
    log_rel = jnp.log(rel.astype(jnp.float32) / half + 1e-06)
    log_max = math.log(max(max_d / half, 1.0))
    scaled = log_rel / (log_max + 1e-06) * (n - half - 1)
    large_bucket = (half + jnp.clip(jnp.floor(scaled), 0, n - half - 1)).astype(jnp.int32)
    return jnp.where(small, rel.astype(jnp.int32), large_bucket)


def reference(bias, L):
    idx = jnp.arange(4096) + (L - L)
    i = idx[:, None]
    j = idx[None, :]
    rel = jnp.abs(j - i)
    buckets = _bucket(rel, N_BUCKETS, MAX_DISTANCE)
    return jnp.take(bias, buckets, axis=0)

if __name__ == "__main__":
    import jax
    _d = setup_inputs()
    print(jax.jit(kernel)(*tuple(_d.values())))

</pallas_src>

<mosaic_0001>
#map = affine_map<(d0, d1) -> (0, 0)>
module attributes {stable_mosaic.version = 14 : i64} {
  func.func @_fanout_body(%arg0: i32, %arg1: i32, %arg2: memref<128x8192xf32, #tpu.memory_space<hbm>>, %arg3: memref<4096x4096xf32, #tpu.memory_space<hbm>>, %arg4: memref<8x8192xf32, #tpu.memory_space<vmem>>, %arg5: memref<!tpu.dma_semaphore, #tpu.memory_space<semaphore_mem>>, %arg6: memref<!tpu.dma_semaphore, #tpu.memory_space<semaphore_mem>>) attributes {dimension_semantics = [#tpu.dimension_semantics<core_parallel>, #tpu.dimension_semantics<subcore_parallel>], iteration_bounds = array<i64: 2, 16>, scalar_prefetch = 0 : i64, scratch_operands = 3 : i64, tpu.core_type = #tpu.core_type<sc_vector_subcore>, window_params = [{transform_indices = #map}, {transform_indices = #map}]} {
    %mul3A = arith.constant 2 : i32
    %mul3A_0 = arith.muli %arg1, %mul3A : i32
    %add3A = arith.addi %mul3A_0, %arg0 : i32
    %shift_right_arithmetic3A = arith.constant 1 : i32
    %shift_right_arithmetic3A_1 = arith.shrsi %add3A, %shift_right_arithmetic3A : i32
    %and3A = arith.constant 1 : i32
    %and3A_2 = arith.andi %add3A, %and3A : i32
    %mul3A_3 = arith.constant 16 : i32
    %mul3A_4 = arith.muli %and3A_2, %mul3A_3 : i32
    %mul3A_5 = arith.constant 8 : i32
    %mul3A_6 = arith.muli %mul3A_5, %shift_right_arithmetic3A_1 : i32
    %multiple_of3A = tpu.assume_multiple %mul3A_6, 8 : i32
    %mul3A_7 = arith.constant 2048 : i32
    %mul3A_8 = arith.muli %and3A_2, %mul3A_7 : i32
    %sub3A = arith.constant 2048 : i32
    %sub3A_9 = arith.subi %sub3A, %mul3A_8 : i32
    %multiple_of3A_10 = tpu.assume_multiple %sub3A_9, 2048 : i32
    %dma_start3A = arith.constant 0 : i32
    %dma_start3A_11 = tpu.memref_slice %arg4[%dma_start3A, %multiple_of3A_10] : memref<8x8192xf32, #tpu.memory_space<vmem>> -> memref<8x4096xf32, #tpu.memory_space<vmem>>
    %dma_start3A_12 = arith.constant 0 : i32
    %dma_start3A_13 = tpu.memref_slice %arg2[%multiple_of3A, %dma_start3A_12] : memref<128x8192xf32, #tpu.memory_space<hbm>> -> memref<8x8192xf32, #tpu.memory_space<hbm>>
    %dma_start3A_14 = arith.constant 0 : i32
    %dma_start3A_15 = tpu.memref_slice %dma_start3A_13[%dma_start3A_14, %multiple_of3A_10] : memref<8x8192xf32, #tpu.memory_space<hbm>> -> memref<8x4096xf32, #tpu.memory_space<hbm>>
    %dma_start3A_16 = arith.constant 0 : i32
    %dma_start3A_17 = tpu.memref_slice %arg4[%dma_start3A_16, %multiple_of3A_10] : memref<8x8192xf32, #tpu.memory_space<vmem>> -> memref<8x4096xf32, #tpu.memory_space<vmem>>
    %dma_start3A_18 = arith.constant 0 : i32
    %dma_start3A_19 = tpu.memref_slice %arg2[%multiple_of3A, %dma_start3A_18] : memref<128x8192xf32, #tpu.memory_space<hbm>> -> memref<8x8192xf32, #tpu.memory_space<hbm>>
    %dma_start3A_20 = arith.constant 0 : i32
    %dma_start3A_21 = tpu.memref_slice %dma_start3A_19[%dma_start3A_20, %multiple_of3A_10] : memref<8x8192xf32, #tpu.memory_space<hbm>> -> memref<8x4096xf32, #tpu.memory_space<hbm>>
    tpu.enqueue_dma source(%dma_start3A_21 : memref<8x4096xf32, #tpu.memory_space<hbm>>) target(%dma_start3A_17 : memref<8x4096xf32, #tpu.memory_space<vmem>>) target_semaphore(%arg5 : memref<!tpu.dma_semaphore, #tpu.memory_space<semaphore_mem>>)
    %add3A_22 = arith.constant 4096 : i32
    %add3A_23 = arith.addi %multiple_of3A_10, %add3A_22 : i32
    %add3A_24 = arith.constant 4096 : i32
    %add3A_25 = arith.addi %multiple_of3A_10, %add3A_24 : i32
    %dma_start3A_26 = arith.constant 0 : i32
    %dma_start3A_27 = tpu.memref_slice %arg4[%dma_start3A_26, %add3A_25] : memref<8x8192xf32, #tpu.memory_space<vmem>> -> memref<8x2048xf32, #tpu.memory_space<vmem>>
    %dma_start3A_28 = arith.constant 0 : i32
    %dma_start3A_29 = tpu.memref_slice %arg2[%multiple_of3A, %dma_start3A_28] : memref<128x8192xf32, #tpu.memory_space<hbm>> -> memref<8x8192xf32, #tpu.memory_space<hbm>>
    %dma_start3A_30 = arith.constant 0 : i32
    %dma_start3A_31 = tpu.memref_slice %dma_start3A_29[%dma_start3A_30, %add3A_23] : memref<8x8192xf32, #tpu.memory_space<hbm>> -> memref<8x2048xf32, #tpu.memory_space<hbm>>
    %dma_start3A_32 = arith.constant 0 : i32
    %dma_start3A_33 = tpu.memref_slice %arg4[%dma_start3A_32, %add3A_25] : memref<8x8192xf32, #tpu.memory_space<vmem>> -> memref<8x2048xf32, #tpu.memory_space<vmem>>
    %dma_start3A_34 = arith.constant 0 : i32
    %dma_start3A_35 = tpu.memref_slice %arg2[%multiple_of3A, %dma_start3A_34] : memref<128x8192xf32, #tpu.memory_space<hbm>> -> memref<8x8192xf32, #tpu.memory_space<hbm>>
    %dma_start3A_36 = arith.constant 0 : i32
    %dma_start3A_37 = tpu.memref_slice %dma_start3A_35[%dma_start3A_36, %add3A_23] : memref<8x8192xf32, #tpu.memory_space<hbm>> -> memref<8x2048xf32, #tpu.memory_space<hbm>>
    tpu.enqueue_dma source(%dma_start3A_37 : memref<8x2048xf32, #tpu.memory_space<hbm>>) target(%dma_start3A_33 : memref<8x2048xf32, #tpu.memory_space<vmem>>) target_semaphore(%arg5 : memref<!tpu.dma_semaphore, #tpu.memory_space<semaphore_mem>>)
    %dma_wait3A = arith.constant 0 : i32
    %dma_wait3A_38 = tpu.memref_slice %arg4[%dma_wait3A, %multiple_of3A_10] : memref<8x8192xf32, #tpu.memory_space<vmem>> -> memref<8x4096xf32, #tpu.memory_space<vmem>>
    %dma_wait3A_39 = arith.constant 0 : i32
    %dma_wait3A_40 = tpu.memref_slice %arg2[%multiple_of3A, %dma_wait3A_39] : memref<128x8192xf32, #tpu.memory_space<hbm>> -> memref<8x8192xf32, #tpu.memory_space<hbm>>
    %dma_wait3A_41 = arith.constant 0 : i32
    %dma_wait3A_42 = tpu.memref_slice %dma_wait3A_40[%dma_wait3A_41, %multiple_of3A_10] : memref<8x8192xf32, #tpu.memory_space<hbm>> -> memref<8x4096xf32, #tpu.memory_space<hbm>>
    %dma_wait3A_43 = arith.constant 0 : i32
    %dma_wait3A_44 = tpu.memref_slice %arg4[%dma_wait3A_43, %multiple_of3A_10] : memref<8x8192xf32, #tpu.memory_space<vmem>> -> memref<8x4096xf32, #tpu.memory_space<vmem>>
    %dma_wait3A_45 = arith.constant 0 : i32
    %dma_wait3A_46 = tpu.memref_slice %arg2[%multiple_of3A, %dma_wait3A_45] : memref<128x8192xf32, #tpu.memory_space<hbm>> -> memref<8x8192xf32, #tpu.memory_space<hbm>>
    %dma_wait3A_47 = arith.constant 0 : i32
    %dma_wait3A_48 = tpu.memref_slice %dma_wait3A_46[%dma_wait3A_47, %multiple_of3A_10] : memref<8x8192xf32, #tpu.memory_space<hbm>> -> memref<8x4096xf32, #tpu.memory_space<hbm>>
    tpu.wait_dma2 semaphore(%arg5 : memref<!tpu.dma_semaphore, #tpu.memory_space<semaphore_mem>>) src(%dma_wait3A_48 : memref<8x4096xf32, #tpu.memory_space<hbm>>) dst(%dma_wait3A_44 : memref<8x4096xf32, #tpu.memory_space<vmem>>)
    %add3A_49 = arith.constant 15 : i32
    %add3A_50 = arith.addi %mul3A_4, %add3A_49 : i32
    %sub3A_51 = arith.constant 15 : i32
    %sub3A_52 = arith.subi %sub3A_51, %shift_right_arithmetic3A_1 : i32
    %mul3A_53 = arith.constant 16 : i32
    %mul3A_54 = arith.muli %mul3A_53, %add3A_50 : i32
    %add3A_55 = arith.addi %sub3A_52, %mul3A_54 : i32
    %sub3A_56 = arith.constant 31 : i32
    %sub3A_57 = arith.subi %sub3A_56, %add3A_50 : i32
    %mul3A_58 = arith.constant 128 : i32
    %mul3A_59 = arith.muli %mul3A_58, %sub3A_57 : i32
    %multiple_of3A_60 = tpu.assume_multiple %mul3A_59, 128 : i32
    %mul3A_61 = arith.constant 8 : i32
    %mul3A_62 = arith.muli %mul3A_61, %add3A_55 : i32
    %multiple_of3A_63 = tpu.assume_multiple %mul3A_62, 8 : i32
    %dma_start3A_64 = arith.constant 0 : i32
    %dma_start3A_65 = tpu.memref_slice %arg4[%dma_start3A_64, %multiple_of3A_60] : memref<8x8192xf32, #tpu.memory_space<vmem>> -> memref<8x4096xf32, #tpu.memory_space<vmem>>
    %dma_start3A_66 = arith.constant 0 : i32
    %dma_start3A_67 = tpu.memref_slice %arg3[%multiple_of3A_63, %dma_start3A_66] : memref<4096x4096xf32, #tpu.memory_space<hbm>> -> memref<8x4096xf32, #tpu.memory_space<hbm>>
    %dma_start3A_68 = arith.constant 0 : i32
    %dma_start3A_69 = tpu.memref_slice %arg3[%multiple_of3A_63, %dma_start3A_68] : memref<4096x4096xf32, #tpu.memory_space<hbm>> -> memref<8x4096xf32, #tpu.memory_space<hbm>>
    %dma_start3A_70 = arith.constant 0 : i32
    %dma_start3A_71 = tpu.memref_slice %arg4[%dma_start3A_70, %multiple_of3A_60] : memref<8x8192xf32, #tpu.memory_space<vmem>> -> memref<8x4096xf32, #tpu.memory_space<vmem>>
    tpu.enqueue_dma source(%dma_start3A_71 : memref<8x4096xf32, #tpu.memory_space<vmem>>) target(%dma_start3A_69 : memref<8x4096xf32, #tpu.memory_space<hbm>>) target_semaphore(%arg6 : memref<!tpu.dma_semaphore, #tpu.memory_space<semaphore_mem>>)
    %dma_wait3A_72 = arith.constant 0 : i32
    %dma_wait3A_73 = tpu.memref_slice %arg4[%dma_wait3A_72, %add3A_25] : memref<8x8192xf32, #tpu.memory_space<vmem>> -> memref<8x2048xf32, #tpu.memory_space<vmem>>
    %dma_wait3A_74 = arith.constant 0 : i32
    %dma_wait3A_75 = tpu.memref_slice %arg2[%multiple_of3A, %dma_wait3A_74] : memref<128x8192xf32, #tpu.memory_space<hbm>> -> memref<8x8192xf32, #tpu.memory_space<hbm>>
    %dma_wait3A_76 = arith.constant 0 : i32
    %dma_wait3A_77 = tpu.memref_slice %dma_wait3A_75[%dma_wait3A_76, %add3A_23] : memref<8x8192xf32, #tpu.memory_space<hbm>> -> memref<8x2048xf32, #tpu.memory_space<hbm>>
    %dma_wait3A_78 = arith.constant 0 : i32
    %dma_wait3A_79 = tpu.memref_slice %arg4[%dma_wait3A_78, %add3A_25] : memref<8x8192xf32, #tpu.memory_space<vmem>> -> memref<8x2048xf32, #tpu.memory_space<vmem>>
    %dma_wait3A_80 = arith.constant 0 : i32
    %dma_wait3A_81 = tpu.memref_slice %arg2[%multiple_of3A, %dma_wait3A_80] : memref<128x8192xf32, #tpu.memory_space<hbm>> -> memref<8x8192xf32, #tpu.memory_space<hbm>>
    %dma_wait3A_82 = arith.constant 0 : i32
    %dma_wait3A_83 = tpu.memref_slice %dma_wait3A_81[%dma_wait3A_82, %add3A_23] : memref<8x8192xf32, #tpu.memory_space<hbm>> -> memref<8x2048xf32, #tpu.memory_space<hbm>>
    tpu.wait_dma2 semaphore(%arg5 : memref<!tpu.dma_semaphore, #tpu.memory_space<semaphore_mem>>) src(%dma_wait3A_83 : memref<8x2048xf32, #tpu.memory_space<hbm>>) dst(%dma_wait3A_79 : memref<8x2048xf32, #tpu.memory_space<vmem>>)
    %add3A_84 = arith.constant 14 : i32
    %add3A_85 = arith.addi %mul3A_4, %add3A_84 : i32
    %sub3A_86 = arith.constant 15 : i32
    %sub3A_87 = arith.subi %sub3A_86, %shift_right_arithmetic3A_1 : i32
    %mul3A_88 = arith.constant 16 : i32
    %mul3A_89 = arith.muli %mul3A_88, %add3A_85 : i32
    %add3A_90 = arith.addi %sub3A_87, %mul3A_89 : i32
    %sub3A_91 = arith.constant 31 : i32
    %sub3A_92 = arith.subi %sub3A_91, %add3A_85 : i32
    %mul3A_93 = arith.constant 128 : i32
    %mul3A_94 = arith.muli %mul3A_93, %sub3A_92 : i32
    %multiple_of3A_95 = tpu.assume_multiple %mul3A_94, 128 : i32
    %mul3A_96 = arith.constant 8 : i32
    %mul3A_97 = arith.muli %mul3A_96, %add3A_90 : i32
    %multiple_of3A_98 = tpu.assume_multiple %mul3A_97, 8 : i32
    %dma_start3A_99 = arith.constant 0 : i32
    %dma_start3A_100 = tpu.memref_slice %arg4[%dma_start3A_99, %multiple_of3A_95] : memref<8x8192xf32, #tpu.memory_space<vmem>> -> memref<8x4096xf32, #tpu.memory_space<vmem>>
    %dma_start3A_101 = arith.constant 0 : i32
    %dma_start3A_102 = tpu.memref_slice %arg3[%multiple_of3A_98, %dma_start3A_101] : memref<4096x4096xf32, #tpu.memory_space<hbm>> -> memref<8x4096xf32, #tpu.memory_space<hbm>>
    %dma_start3A_103 = arith.constant 0 : i32
    %dma_start3A_104 = tpu.memref_slice %arg3[%multiple_of3A_98, %dma_start3A_103] : memref<4096x4096xf32, #tpu.memory_space<hbm>> -> memref<8x4096xf32, #tpu.memory_space<hbm>>
    %dma_start3A_105 = arith.constant 0 : i32
    %dma_start3A_106 = tpu.memref_slice %arg4[%dma_start3A_105, %multiple_of3A_95] : memref<8x8192xf32, #tpu.memory_space<vmem>> -> memref<8x4096xf32, #tpu.memory_space<vmem>>
    tpu.enqueue_dma source(%dma_start3A_106 : memref<8x4096xf32, #tpu.memory_space<vmem>>) target(%dma_start3A_104 : memref<8x4096xf32, #tpu.memory_space<hbm>>) target_semaphore(%arg6 : memref<!tpu.dma_semaphore, #tpu.memory_space<semaphore_mem>>)
    %add3A_107 = arith.constant 13 : i32
    %add3A_108 = arith.addi %mul3A_4, %add3A_107 : i32
    %sub3A_109 = arith.constant 15 : i32
    %sub3A_110 = arith.subi %sub3A_109, %shift_right_arithmetic3A_1 : i32
    %mul3A_111 = arith.constant 16 : i32
    %mul3A_112 = arith.muli %mul3A_111, %add3A_108 : i32
    %add3A_113 = arith.addi %sub3A_110, %mul3A_112 : i32
    %sub3A_114 = arith.constant 31 : i32
    %sub3A_115 = arith.subi %sub3A_114, %add3A_108 : i32
    %mul3A_116 = arith.constant 128 : i32
    %mul3A_117 = arith.muli %mul3A_116, %sub3A_115 : i32
    %multiple_of3A_118 = tpu.assume_multiple %mul3A_117, 128 : i32
    %mul3A_119 = arith.constant 8 : i32
    %mul3A_120 = arith.muli %mul3A_119, %add3A_113 : i32
    %multiple_of3A_121 = tpu.assume_multiple %mul3A_120, 8 : i32
    %dma_start3A_122 = arith.constant 0 : i32
    %dma_start3A_123 = tpu.memref_slice %arg4[%dma_start3A_122, %multiple_of3A_118] : memref<8x8192xf32, #tpu.memory_space<vmem>> -> memref<8x4096xf32, #tpu.memory_space<vmem>>
    %dma_start3A_124 = arith.constant 0 : i32
    %dma_start3A_125 = tpu.memref_slice %arg3[%multiple_of3A_121, %dma_start3A_124] : memref<4096x4096xf32, #tpu.memory_space<hbm>> -> memref<8x4096xf32, #tpu.memory_space<hbm>>
    %dma_start3A_126 = arith.constant 0 : i32
    %dma_start3A_127 = tpu.memref_slice %arg3[%multiple_of3A_121, %dma_start3A_126] : memref<4096x4096xf32, #tpu.memory_space<hbm>> -> memref<8x4096xf32, #tpu.memory_space<hbm>>
    %dma_start3A_128 = arith.constant 0 : i32
    %dma_start3A_129 = tpu.memref_slice %arg4[%dma_start3A_128, %multiple_of3A_118] : memref<8x8192xf32, #tpu.memory_space<vmem>> -> memref<8x4096xf32, #tpu.memory_space<vmem>>
    tpu.enqueue_dma source(%dma_start3A_129 : memref<8x4096xf32, #tpu.memory_space<vmem>>) target(%dma_start3A_127 : memref<8x4096xf32, #tpu.memory_space<hbm>>) target_semaphore(%arg6 : memref<!tpu.dma_semaphore, #tpu.memory_space<semaphore_mem>>)
    %add3A_130 = arith.constant 12 : i32
    %add3A_131 = arith.addi %mul3A_4, %add3A_130 : i32
    %sub3A_132 = arith.constant 15 : i32
    %sub3A_133 = arith.subi %sub3A_132, %shift_right_arithmetic3A_1 : i32
    %mul3A_134 = arith.constant 16 : i32
    %mul3A_135 = arith.muli %mul3A_134, %add3A_131 : i32
    %add3A_136 = arith.addi %sub3A_133, %mul3A_135 : i32
    %sub3A_137 = arith.constant 31 : i32
    %sub3A_138 = arith.subi %sub3A_137, %add3A_131 : i32
    %mul3A_139 = arith.constant 128 : i32
    %mul3A_140 = arith.muli %mul3A_139, %sub3A_138 : i32
    %multiple_of3A_141 = tpu.assume_multiple %mul3A_140, 128 : i32
    %mul3A_142 = arith.constant 8 : i32
    %mul3A_143 = arith.muli %mul3A_142, %add3A_136 : i32
    %multiple_of3A_144 = tpu.assume_multiple %mul3A_143, 8 : i32
    %dma_start3A_145 = arith.constant 0 : i32
    %dma_start3A_146 = tpu.memref_slice %arg4[%dma_start3A_145, %multiple_of3A_141] : memref<8x8192xf32, #tpu.memory_space<vmem>> -> memref<8x4096xf32, #tpu.memory_space<vmem>>
    %dma_start3A_147 = arith.constant 0 : i32
    %dma_start3A_148 = tpu.memref_slice %arg3[%multiple_of3A_144, %dma_start3A_147] : memref<4096x4096xf32, #tpu.memory_space<hbm>> -> memref<8x4096xf32, #tpu.memory_space<hbm>>
    %dma_start3A_149 = arith.constant 0 : i32
    %dma_start3A_150 = tpu.memref_slice %arg3[%multiple_of3A_144, %dma_start3A_149] : memref<4096x4096xf32, #tpu.memory_space<hbm>> -> memref<8x4096xf32, #tpu.memory_space<hbm>>
    %dma_start3A_151 = arith.constant 0 : i32
    %dma_start3A_152 = tpu.memref_slice %arg4[%dma_start3A_151, %multiple_of3A_141] : memref<8x8192xf32, #tpu.memory_space<vmem>> -> memref<8x4096xf32, #tpu.memory_space<vmem>>
    tpu.enqueue_dma source(%dma_start3A_152 : memref<8x4096xf32, #tpu.memory_space<vmem>>) target(%dma_start3A_150 : memref<8x4096xf32, #tpu.memory_space<hbm>>) target_semaphore(%arg6 : memref<!tpu.dma_semaphore, #tpu.memory_space<semaphore_mem>>)
    %add3A_153 = arith.constant 11 : i32
    %add3A_154 = arith.addi %mul3A_4, %add3A_153 : i32
    %sub3A_155 = arith.constant 15 : i32
    %sub3A_156 = arith.subi %sub3A_155, %shift_right_arithmetic3A_1 : i32
    %mul3A_157 = arith.constant 16 : i32
    %mul3A_158 = arith.muli %mul3A_157, %add3A_154 : i32
    %add3A_159 = arith.addi %sub3A_156, %mul3A_158 : i32
    %sub3A_160 = arith.constant 31 : i32
    %sub3A_161 = arith.subi %sub3A_160, %add3A_154 : i32
    %mul3A_162 = arith.constant 128 : i32
    %mul3A_163 = arith.muli %mul3A_162, %sub3A_161 : i32
    %multiple_of3A_164 = tpu.assume_multiple %mul3A_163, 128 : i32
    %mul3A_165 = arith.constant 8 : i32
    %mul3A_166 = arith.muli %mul3A_165, %add3A_159 : i32
    %multiple_of3A_167 = tpu.assume_multiple %mul3A_166, 8 : i32
    %dma_start3A_168 = arith.constant 0 : i32
    %dma_start3A_169 = tpu.memref_slice %arg4[%dma_start3A_168, %multiple_of3A_164] : memref<8x8192xf32, #tpu.memory_space<vmem>> -> memref<8x4096xf32, #tpu.memory_space<vmem>>
    %dma_start3A_170 = arith.constant 0 : i32
    %dma_start3A_171 = tpu.memref_slice %arg3[%multiple_of3A_167, %dma_start3A_170] : memref<4096x4096xf32, #tpu.memory_space<hbm>> -> memref<8x4096xf32, #tpu.memory_space<hbm>>
    %dma_start3A_172 = arith.constant 0 : i32
    %dma_start3A_173 = tpu.memref_slice %arg3[%multiple_of3A_167, %dma_start3A_172] : memref<4096x4096xf32, #tpu.memory_space<hbm>> -> memref<8x4096xf32, #tpu.memory_space<hbm>>
    %dma_start3A_174 = arith.constant 0 : i32
    %dma_start3A_175 = tpu.memref_slice %arg4[%dma_start3A_174, %multiple_of3A_164] : memref<8x8192xf32, #tpu.memory_space<vmem>> -> memref<8x4096xf32, #tpu.memory_space<vmem>>
    tpu.enqueue_dma source(%dma_start3A_175 : memref<8x4096xf32, #tpu.memory_space<vmem>>) target(%dma_start3A_173 : memref<8x4096xf32, #tpu.memory_space<hbm>>) target_semaphore(%arg6 : memref<!tpu.dma_semaphore, #tpu.memory_space<semaphore_mem>>)
    %add3A_176 = arith.constant 10 : i32
    %add3A_177 = arith.addi %mul3A_4, %add3A_176 : i32
    %sub3A_178 = arith.constant 15 : i32
    %sub3A_179 = arith.subi %sub3A_178, %shift_right_arithmetic3A_1 : i32
    %mul3A_180 = arith.constant 16 : i32
    %mul3A_181 = arith.muli %mul3A_180, %add3A_177 : i32
    %add3A_182 = arith.addi %sub3A_179, %mul3A_181 : i32
    %sub3A_183 = arith.constant 31 : i32
    %sub3A_184 = arith.subi %sub3A_183, %add3A_177 : i32
    %mul3A_185 = arith.constant 128 : i32
    %mul3A_186 = arith.muli %mul3A_185, %sub3A_184 : i32
    %multiple_of3A_187 = tpu.assume_multiple %mul3A_186, 128 : i32
    %mul3A_188 = arith.constant 8 : i32
    %mul3A_189 = arith.muli %mul3A_188, %add3A_182 : i32
    %multiple_of3A_190 = tpu.assume_multiple %mul3A_189, 8 : i32
    %dma_start3A_191 = arith.constant 0 : i32
    %dma_start3A_192 = tpu.memref_slice %arg4[%dma_start3A_191, %multiple_of3A_187] : memref<8x8192xf32, #tpu.memory_space<vmem>> -> memref<8x4096xf32, #tpu.memory_space<vmem>>
    %dma_start3A_193 = arith.constant 0 : i32
    %dma_start3A_194 = tpu.memref_slice %arg3[%multiple_of3A_190, %dma_start3A_193] : memref<4096x4096xf32, #tpu.memory_space<hbm>> -> memref<8x4096xf32, #tpu.memory_space<hbm>>
    %dma_start3A_195 = arith.constant 0 : i32
    %dma_start3A_196 = tpu.memref_slice %arg3[%multiple_of3A_190, %dma_start3A_195] : memref<4096x4096xf32, #tpu.memory_space<hbm>> -> memref<8x4096xf32, #tpu.memory_space<hbm>>
    %dma_start3A_197 = arith.constant 0 : i32
    %dma_start3A_198 = tpu.memref_slice %arg4[%dma_start3A_197, %multiple_of3A_187] : memref<8x8192xf32, #tpu.memory_space<vmem>> -> memref<8x4096xf32, #tpu.memory_space<vmem>>
    tpu.enqueue_dma source(%dma_start3A_198 : memref<8x4096xf32, #tpu.memory_space<vmem>>) target(%dma_start3A_196 : memref<8x4096xf32, #tpu.memory_space<hbm>>) target_semaphore(%arg6 : memref<!tpu.dma_semaphore, #tpu.memory_space<semaphore_mem>>)
    %add3A_199 = arith.constant 9 : i32
    %add3A_200 = arith.addi %mul3A_4, %add3A_199 : i32
    %sub3A_201 = arith.constant 15 : i32
    %sub3A_202 = arith.subi %sub3A_201, %shift_right_arithmetic3A_1 : i32
    %mul3A_203 = arith.constant 16 : i32
    %mul3A_204 = arith.muli %mul3A_203, %add3A_200 : i32
    %add3A_205 = arith.addi %sub3A_202, %mul3A_204 : i32
    %sub3A_206 = arith.constant 31 : i32
    %sub3A_207 = arith.subi %sub3A_206, %add3A_200 : i32
    %mul3A_208 = arith.constant 128 : i32
    %mul3A_209 = arith.muli %mul3A_208, %sub3A_207 : i32
    %multiple_of3A_210 = tpu.assume_multiple %mul3A_209, 128 : i32
    %mul3A_211 = arith.constant 8 : i32
    %mul3A_212 = arith.muli %mul3A_211, %add3A_205 : i32
    %multiple_of3A_213 = tpu.assume_multiple %mul3A_212, 8 : i32
    %dma_start3A_214 = arith.constant 0 : i32
    %dma_start3A_215 = tpu.memref_slice %arg4[%dma_start3A_214, %multiple_of3A_210] : memref<8x8192xf32, #tpu.memory_space<vmem>> -> memref<8x4096xf32, #tpu.memory_space<vmem>>
    %dma_start3A_216 = arith.constant 0 : i32
    %dma_start3A_217 = tpu.memref_slice %arg3[%multiple_of3A_213, %dma_start3A_216] : memref<4096x4096xf32, #tpu.memory_space<hbm>> -> memref<8x4096xf32, #tpu.memory_space<hbm>>
    %dma_start3A_218 = arith.constant 0 : i32
    %dma_start3A_219 = tpu.memref_slice %arg3[%multiple_of3A_213, %dma_start3A_218] : memref<4096x4096xf32, #tpu.memory_space<hbm>> -> memref<8x4096xf32, #tpu.memory_space<hbm>>
    %dma_start3A_220 = arith.constant 0 : i32
    %dma_start3A_221 = tpu.memref_slice %arg4[%dma_start3A_220, %multiple_of3A_210] : memref<8x8192xf32, #tpu.memory_space<vmem>> -> memref<8x4096xf32, #tpu.memory_space<vmem>>
    tpu.enqueue_dma source(%dma_start3A_221 : memref<8x4096xf32, #tpu.memory_space<vmem>>) target(%dma_start3A_219 : memref<8x4096xf32, #tpu.memory_space<hbm>>) target_semaphore(%arg6 : memref<!tpu.dma_semaphore, #tpu.memory_space<semaphore_mem>>)
    %add3A_222 = arith.constant 8 : i32
    %add3A_223 = arith.addi %mul3A_4, %add3A_222 : i32
    %sub3A_224 = arith.constant 15 : i32
    %sub3A_225 = arith.subi %sub3A_224, %shift_right_arithmetic3A_1 : i32
    %mul3A_226 = arith.constant 16 : i32
    %mul3A_227 = arith.muli %mul3A_226, %add3A_223 : i32
    %add3A_228 = arith.addi %sub3A_225, %mul3A_227 : i32
    %sub3A_229 = arith.constant 31 : i32
    %sub3A_230 = arith.subi %sub3A_229, %add3A_223 : i32
    %mul3A_231 = arith.constant 128 : i32
    %mul3A_232 = arith.muli %mul3A_231, %sub3A_230 : i32
    %multiple_of3A_233 = tpu.assume_multiple %mul3A_232, 128 : i32
    %mul3A_234 = arith.constant 8 : i32
    %mul3A_235 = arith.muli %mul3A_234, %add3A_228 : i32
    %multiple_of3A_236 = tpu.assume_multiple %mul3A_235, 8 : i32
    %dma_start3A_237 = arith.constant 0 : i32
    %dma_start3A_238 = tpu.memref_slice %arg4[%dma_start3A_237, %multiple_of3A_233] : memref<8x8192xf32, #tpu.memory_space<vmem>> -> memref<8x4096xf32, #tpu.memory_space<vmem>>
    %dma_start3A_239 = arith.constant 0 : i32
    %dma_start3A_240 = tpu.memref_slice %arg3[%multiple_of3A_236, %dma_start3A_239] : memref<4096x4096xf32, #tpu.memory_space<hbm>> -> memref<8x4096xf32, #tpu.memory_space<hbm>>
    %dma_start3A_241 = arith.constant 0 : i32
    %dma_start3A_242 = tpu.memref_slice %arg3[%multiple_of3A_236, %dma_start3A_241] : memref<4096x4096xf32, #tpu.memory_space<hbm>> -> memref<8x4096xf32, #tpu.memory_space<hbm>>
    %dma_start3A_243 = arith.constant 0 : i32
    %dma_start3A_244 = tpu.memref_slice %arg4[%dma_start3A_243, %multiple_of3A_233] : memref<8x8192xf32, #tpu.memory_space<vmem>> -> memref<8x4096xf32, #tpu.memory_space<vmem>>
    tpu.enqueue_dma source(%dma_start3A_244 : memref<8x4096xf32, #tpu.memory_space<vmem>>) target(%dma_start3A_242 : memref<8x4096xf32, #tpu.memory_space<hbm>>) target_semaphore(%arg6 : memref<!tpu.dma_semaphore, #tpu.memory_space<semaphore_mem>>)
    %add3A_245 = arith.constant 7 : i32
    %add3A_246 = arith.addi %mul3A_4, %add3A_245 : i32
    %sub3A_247 = arith.constant 15 : i32
    %sub3A_248 = arith.subi %sub3A_247, %shift_right_arithmetic3A_1 : i32
    %mul3A_249 = arith.constant 16 : i32
    %mul3A_250 = arith.muli %mul3A_249, %add3A_246 : i32
    %add3A_251 = arith.addi %sub3A_248, %mul3A_250 : i32
    %sub3A_252 = arith.constant 31 : i32
    %sub3A_253 = arith.subi %sub3A_252, %add3A_246 : i32
    %mul3A_254 = arith.constant 128 : i32
    %mul3A_255 = arith.muli %mul3A_254, %sub3A_253 : i32
    %multiple_of3A_256 = tpu.assume_multiple %mul3A_255, 128 : i32
    %mul3A_257 = arith.constant 8 : i32
    %mul3A_258 = arith.muli %mul3A_257, %add3A_251 : i32
    %multiple_of3A_259 = tpu.assume_multiple %mul3A_258, 8 : i32
    %dma_start3A_260 = arith.constant 0 : i32
    %dma_start3A_261 = tpu.memref_slice %arg4[%dma_start3A_260, %multiple_of3A_256] : memref<8x8192xf32, #tpu.memory_space<vmem>> -> memref<8x4096xf32, #tpu.memory_space<vmem>>
    %dma_start3A_262 = arith.constant 0 : i32
    %dma_start3A_263 = tpu.memref_slice %arg3[%multiple_of3A_259, %dma_start3A_262] : memref<4096x4096xf32, #tpu.memory_space<hbm>> -> memref<8x4096xf32, #tpu.memory_space<hbm>>
    %dma_start3A_264 = arith.constant 0 : i32
    %dma_start3A_265 = tpu.memref_slice %arg3[%multiple_of3A_259, %dma_start3A_264] : memref<4096x4096xf32, #tpu.memory_space<hbm>> -> memref<8x4096xf32, #tpu.memory_space<hbm>>
    %dma_start3A_266 = arith.constant 0 : i32
    %dma_start3A_267 = tpu.memref_slice %arg4[%dma_start3A_266, %multiple_of3A_256] : memref<8x8192xf32, #tpu.memory_space<vmem>> -> memref<8x4096xf32, #tpu.memory_space<vmem>>
    tpu.enqueue_dma source(%dma_start3A_267 : memref<8x4096xf32, #tpu.memory_space<vmem>>) target(%dma_start3A_265 : memref<8x4096xf32, #tpu.memory_space<hbm>>) target_semaphore(%arg6 : memref<!tpu.dma_semaphore, #tpu.memory_space<semaphore_mem>>)
    %add3A_268 = arith.constant 6 : i32
    %add3A_269 = arith.addi %mul3A_4, %add3A_268 : i32
    %sub3A_270 = arith.constant 15 : i32
    %sub3A_271 = arith.subi %sub3A_270, %shift_right_arithmetic3A_1 : i32
    %mul3A_272 = arith.constant 16 : i32
    %mul3A_273 = arith.muli %mul3A_272, %add3A_269 : i32
    %add3A_274 = arith.addi %sub3A_271, %mul3A_273 : i32
    %sub3A_275 = arith.constant 31 : i32
    %sub3A_276 = arith.subi %sub3A_275, %add3A_269 : i32
    %mul3A_277 = arith.constant 128 : i32
    %mul3A_278 = arith.muli %mul3A_277, %sub3A_276 : i32
    %multiple_of3A_279 = tpu.assume_multiple %mul3A_278, 128 : i32
    %mul3A_280 = arith.constant 8 : i32
    %mul3A_281 = arith.muli %mul3A_280, %add3A_274 : i32
    %multiple_of3A_282 = tpu.assume_multiple %mul3A_281, 8 : i32
    %dma_start3A_283 = arith.constant 0 : i32
    %dma_start3A_284 = tpu.memref_slice %arg4[%dma_start3A_283, %multiple_of3A_279] : memref<8x8192xf32, #tpu.memory_space<vmem>> -> memref<8x4096xf32, #tpu.memory_space<vmem>>
    %dma_start3A_285 = arith.constant 0 : i32
    %dma_start3A_286 = tpu.memref_slice %arg3[%multiple_of3A_282, %dma_start3A_285] : memref<4096x4096xf32, #tpu.memory_space<hbm>> -> memref<8x4096xf32, #tpu.memory_space<hbm>>
    %dma_start3A_287 = arith.constant 0 : i32
    %dma_start3A_288 = tpu.memref_slice %arg3[%multiple_of3A_282, %dma_start3A_287] : memref<4096x4096xf32, #tpu.memory_space<hbm>> -> memref<8x4096xf32, #tpu.memory_space<hbm>>
    %dma_start3A_289 = arith.constant 0 : i32
    %dma_start3A_290 = tpu.memref_slice %arg4[%dma_start3A_289, %multiple_of3A_279] : memref<8x8192xf32, #tpu.memory_space<vmem>> -> memref<8x4096xf32, #tpu.memory_space<vmem>>
    tpu.enqueue_dma source(%dma_start3A_290 : memref<8x4096xf32, #tpu.memory_space<vmem>>) target(%dma_start3A_288 : memref<8x4096xf32, #tpu.memory_space<hbm>>) target_semaphore(%arg6 : memref<!tpu.dma_semaphore, #tpu.memory_space<semaphore_mem>>)
    %add3A_291 = arith.constant 5 : i32
    %add3A_292 = arith.addi %mul3A_4, %add3A_291 : i32
    %sub3A_293 = arith.constant 15 : i32
    %sub3A_294 = arith.subi %sub3A_293, %shift_right_arithmetic3A_1 : i32
    %mul3A_295 = arith.constant 16 : i32
    %mul3A_296 = arith.muli %mul3A_295, %add3A_292 : i32
    %add3A_297 = arith.addi %sub3A_294, %mul3A_296 : i32
    %sub3A_298 = arith.constant 31 : i32
    %sub3A_299 = arith.subi %sub3A_298, %add3A_292 : i32
    %mul3A_300 = arith.constant 128 : i32
    %mul3A_301 = arith.muli %mul3A_300, %sub3A_299 : i32
    %multiple_of3A_302 = tpu.assume_multiple %mul3A_301, 128 : i32
    %mul3A_303 = arith.constant 8 : i32
    %mul3A_304 = arith.muli %mul3A_303, %add3A_297 : i32
    %multiple_of3A_305 = tpu.assume_multiple %mul3A_304, 8 : i32
    %dma_start3A_306 = arith.constant 0 : i32
    %dma_start3A_307 = tpu.memref_slice %arg4[%dma_start3A_306, %multiple_of3A_302] : memref<8x8192xf32, #tpu.memory_space<vmem>> -> memref<8x4096xf32, #tpu.memory_space<vmem>>
    %dma_start3A_308 = arith.constant 0 : i32
    %dma_start3A_309 = tpu.memref_slice %arg3[%multiple_of3A_305, %dma_start3A_308] : memref<4096x4096xf32, #tpu.memory_space<hbm>> -> memref<8x4096xf32, #tpu.memory_space<hbm>>
    %dma_start3A_310 = arith.constant 0 : i32
    %dma_start3A_311 = tpu.memref_slice %arg3[%multiple_of3A_305, %dma_start3A_310] : memref<4096x4096xf32, #tpu.memory_space<hbm>> -> memref<8x4096xf32, #tpu.memory_space<hbm>>
    %dma_start3A_312 = arith.constant 0 : i32
    %dma_start3A_313 = tpu.memref_slice %arg4[%dma_start3A_312, %multiple_of3A_302] : memref<8x8192xf32, #tpu.memory_space<vmem>> -> memref<8x4096xf32, #tpu.memory_space<vmem>>
    tpu.enqueue_dma source(%dma_start3A_313 : memref<8x4096xf32, #tpu.memory_space<vmem>>) target(%dma_start3A_311 : memref<8x4096xf32, #tpu.memory_space<hbm>>) target_semaphore(%arg6 : memref<!tpu.dma_semaphore, #tpu.memory_space<semaphore_mem>>)
    %add3A_314 = arith.constant 4 : i32
    %add3A_315 = arith.addi %mul3A_4, %add3A_314 : i32
    %sub3A_316 = arith.constant 15 : i32
    %sub3A_317 = arith.subi %sub3A_316, %shift_right_arithmetic3A_1 : i32
    %mul3A_318 = arith.constant 16 : i32
    %mul3A_319 = arith.muli %mul3A_318, %add3A_315 : i32
    %add3A_320 = arith.addi %sub3A_317, %mul3A_319 : i32
    %sub3A_321 = arith.constant 31 : i32
    %sub3A_322 = arith.subi %sub3A_321, %add3A_315 : i32
    %mul3A_323 = arith.constant 128 : i32
    %mul3A_324 = arith.muli %mul3A_323, %sub3A_322 : i32
    %multiple_of3A_325 = tpu.assume_multiple %mul3A_324, 128 : i32
    %mul3A_326 = arith.constant 8 : i32
    %mul3A_327 = arith.muli %mul3A_326, %add3A_320 : i32
    %multiple_of3A_328 = tpu.assume_multiple %mul3A_327, 8 : i32
    %dma_start3A_329 = arith.constant 0 : i32
    %dma_start3A_330 = tpu.memref_slice %arg4[%dma_start3A_329, %multiple_of3A_325] : memref<8x8192xf32, #tpu.memory_space<vmem>> -> memref<8x4096xf32, #tpu.memory_space<vmem>>
    %dma_start3A_331 = arith.constant 0 : i32
    %dma_start3A_332 = tpu.memref_slice %arg3[%multiple_of3A_328, %dma_start3A_331] : memref<4096x4096xf32, #tpu.memory_space<hbm>> -> memref<8x4096xf32, #tpu.memory_space<hbm>>
    %dma_start3A_333 = arith.constant 0 : i32
    %dma_start3A_334 = tpu.memref_slice %arg3[%multiple_of3A_328, %dma_start3A_333] : memref<4096x4096xf32, #tpu.memory_space<hbm>> -> memref<8x4096xf32, #tpu.memory_space<hbm>>
    %dma_start3A_335 = arith.constant 0 : i32
    %dma_start3A_336 = tpu.memref_slice %arg4[%dma_start3A_335, %multiple_of3A_325] : memref<8x8192xf32, #tpu.memory_space<vmem>> -> memref<8x4096xf32, #tpu.memory_space<vmem>>
    tpu.enqueue_dma source(%dma_start3A_336 : memref<8x4096xf32, #tpu.memory_space<vmem>>) target(%dma_start3A_334 : memref<8x4096xf32, #tpu.memory_space<hbm>>) target_semaphore(%arg6 : memref<!tpu.dma_semaphore, #tpu.memory_space<semaphore_mem>>)
    %add3A_337 = arith.constant 3 : i32
    %add3A_338 = arith.addi %mul3A_4, %add3A_337 : i32
    %sub3A_339 = arith.constant 15 : i32
    %sub3A_340 = arith.subi %sub3A_339, %shift_right_arithmetic3A_1 : i32
    %mul3A_341 = arith.constant 16 : i32
    %mul3A_342 = arith.muli %mul3A_341, %add3A_338 : i32
    %add3A_343 = arith.addi %sub3A_340, %mul3A_342 : i32
    %sub3A_344 = arith.constant 31 : i32
    %sub3A_345 = arith.subi %sub3A_344, %add3A_338 : i32
    %mul3A_346 = arith.constant 128 : i32
    %mul3A_347 = arith.muli %mul3A_346, %sub3A_345 : i32
    %multiple_of3A_348 = tpu.assume_multiple %mul3A_347, 128 : i32
    %mul3A_349 = arith.constant 8 : i32
    %mul3A_350 = arith.muli %mul3A_349, %add3A_343 : i32
    %multiple_of3A_351 = tpu.assume_multiple %mul3A_350, 8 : i32
    %dma_start3A_352 = arith.constant 0 : i32
    %dma_start3A_353 = tpu.memref_slice %arg4[%dma_start3A_352, %multiple_of3A_348] : memref<8x8192xf32, #tpu.memory_space<vmem>> -> memref<8x4096xf32, #tpu.memory_space<vmem>>
    %dma_start3A_354 = arith.constant 0 : i32
    %dma_start3A_355 = tpu.memref_slice %arg3[%multiple_of3A_351, %dma_start3A_354] : memref<4096x4096xf32, #tpu.memory_space<hbm>> -> memref<8x4096xf32, #tpu.memory_space<hbm>>
    %dma_start3A_356 = arith.constant 0 : i32
    %dma_start3A_357 = tpu.memref_slice %arg3[%multiple_of3A_351, %dma_start3A_356] : memref<4096x4096xf32, #tpu.memory_space<hbm>> -> memref<8x4096xf32, #tpu.memory_space<hbm>>
    %dma_start3A_358 = arith.constant 0 : i32
    %dma_start3A_359 = tpu.memref_slice %arg4[%dma_start3A_358, %multiple_of3A_348] : memref<8x8192xf32, #tpu.memory_space<vmem>> -> memref<8x4096xf32, #tpu.memory_space<vmem>>
    tpu.enqueue_dma source(%dma_start3A_359 : memref<8x4096xf32, #tpu.memory_space<vmem>>) target(%dma_start3A_357 : memref<8x4096xf32, #tpu.memory_space<hbm>>) target_semaphore(%arg6 : memref<!tpu.dma_semaphore, #tpu.memory_space<semaphore_mem>>)
    %add3A_360 = arith.constant 2 : i32
    %add3A_361 = arith.addi %mul3A_4, %add3A_360 : i32
    %sub3A_362 = arith.constant 15 : i32
    %sub3A_363 = arith.subi %sub3A_362, %shift_right_arithmetic3A_1 : i32
    %mul3A_364 = arith.constant 16 : i32
    %mul3A_365 = arith.muli %mul3A_364, %add3A_361 : i32
    %add3A_366 = arith.addi %sub3A_363, %mul3A_365 : i32
    %sub3A_367 = arith.constant 31 : i32
    %sub3A_368 = arith.subi %sub3A_367, %add3A_361 : i32
    %mul3A_369 = arith.constant 128 : i32
    %mul3A_370 = arith.muli %mul3A_369, %sub3A_368 : i32
    %multiple_of3A_371 = tpu.assume_multiple %mul3A_370, 128 : i32
    %mul3A_372 = arith.constant 8 : i32
    %mul3A_373 = arith.muli %mul3A_372, %add3A_366 : i32
    %multiple_of3A_374 = tpu.assume_multiple %mul3A_373, 8 : i32
    %dma_start3A_375 = arith.constant 0 : i32
    %dma_start3A_376 = tpu.memref_slice %arg4[%dma_start3A_375, %multiple_of3A_371] : memref<8x8192xf32, #tpu.memory_space<vmem>> -> memref<8x4096xf32, #tpu.memory_space<vmem>>
    %dma_start3A_377 = arith.constant 0 : i32
    %dma_start3A_378 = tpu.memref_slice %arg3[%multiple_of3A_374, %dma_start3A_377] : memref<4096x4096xf32, #tpu.memory_space<hbm>> -> memref<8x4096xf32, #tpu.memory_space<hbm>>
    %dma_start3A_379 = arith.constant 0 : i32
    %dma_start3A_380 = tpu.memref_slice %arg3[%multiple_of3A_374, %dma_start3A_379] : memref<4096x4096xf32, #tpu.memory_space<hbm>> -> memref<8x4096xf32, #tpu.memory_space<hbm>>
    %dma_start3A_381 = arith.constant 0 : i32
    %dma_start3A_382 = tpu.memref_slice %arg4[%dma_start3A_381, %multiple_of3A_371] : memref<8x8192xf32, #tpu.memory_space<vmem>> -> memref<8x4096xf32, #tpu.memory_space<vmem>>
    tpu.enqueue_dma source(%dma_start3A_382 : memref<8x4096xf32, #tpu.memory_space<vmem>>) target(%dma_start3A_380 : memref<8x4096xf32, #tpu.memory_space<hbm>>) target_semaphore(%arg6 : memref<!tpu.dma_semaphore, #tpu.memory_space<semaphore_mem>>)
    %add3A_383 = arith.constant 1 : i32
    %add3A_384 = arith.addi %mul3A_4, %add3A_383 : i32
    %sub3A_385 = arith.constant 15 : i32
    %sub3A_386 = arith.subi %sub3A_385, %shift_right_arithmetic3A_1 : i32
    %mul3A_387 = arith.constant 16 : i32
    %mul3A_388 = arith.muli %mul3A_387, %add3A_384 : i32
    %add3A_389 = arith.addi %sub3A_386, %mul3A_388 : i32
    %sub3A_390 = arith.constant 31 : i32
    %sub3A_391 = arith.subi %sub3A_390, %add3A_384 : i32
    %mul3A_392 = arith.constant 128 : i32
    %mul3A_393 = arith.muli %mul3A_392, %sub3A_391 : i32
    %multiple_of3A_394 = tpu.assume_multiple %mul3A_393, 128 : i32
    %mul3A_395 = arith.constant 8 : i32
    %mul3A_396 = arith.muli %mul3A_395, %add3A_389 : i32
    %multiple_of3A_397 = tpu.assume_multiple %mul3A_396, 8 : i32
    %dma_start3A_398 = arith.constant 0 : i32
    %dma_start3A_399 = tpu.memref_slice %arg4[%dma_start3A_398, %multiple_of3A_394] : memref<8x8192xf32, #tpu.memory_space<vmem>> -> memref<8x4096xf32, #tpu.memory_space<vmem>>
    %dma_start3A_400 = arith.constant 0 : i32
    %dma_start3A_401 = tpu.memref_slice %arg3[%multiple_of3A_397, %dma_start3A_400] : memref<4096x4096xf32, #tpu.memory_space<hbm>> -> memref<8x4096xf32, #tpu.memory_space<hbm>>
    %dma_start3A_402 = arith.constant 0 : i32
    %dma_start3A_403 = tpu.memref_slice %arg3[%multiple_of3A_397, %dma_start3A_402] : memref<4096x4096xf32, #tpu.memory_space<hbm>> -> memref<8x4096xf32, #tpu.memory_space<hbm>>
    %dma_start3A_404 = arith.constant 0 : i32
    %dma_start3A_405 = tpu.memref_slice %arg4[%dma_start3A_404, %multiple_of3A_394] : memref<8x8192xf32, #tpu.memory_space<vmem>> -> memref<8x4096xf32, #tpu.memory_space<vmem>>
    tpu.enqueue_dma source(%dma_start3A_405 : memref<8x4096xf32, #tpu.memory_space<vmem>>) target(%dma_start3A_403 : memref<8x4096xf32, #tpu.memory_space<hbm>>) target_semaphore(%arg6 : memref<!tpu.dma_semaphore, #tpu.memory_space<semaphore_mem>>)
    %add3A_406 = arith.constant 0 : i32
    %add3A_407 = arith.addi %mul3A_4, %add3A_406 : i32
    %sub3A_408 = arith.constant 15 : i32
    %sub3A_409 = arith.subi %sub3A_408, %shift_right_arithmetic3A_1 : i32
    %mul3A_410 = arith.constant 16 : i32
    %mul3A_411 = arith.muli %mul3A_410, %add3A_407 : i32
    %add3A_412 = arith.addi %sub3A_409, %mul3A_411 : i32
    %sub3A_413 = arith.constant 31 : i32
    %sub3A_414 = arith.subi %sub3A_413, %add3A_407 : i32
    %mul3A_415 = arith.constant 128 : i32
    %mul3A_416 = arith.muli %mul3A_415, %sub3A_414 : i32
    %multiple_of3A_417 = tpu.assume_multiple %mul3A_416, 128 : i32
    %mul3A_418 = arith.constant 8 : i32
    %mul3A_419 = arith.muli %mul3A_418, %add3A_412 : i32
    %multiple_of3A_420 = tpu.assume_multiple %mul3A_419, 8 : i32
    %dma_start3A_421 = arith.constant 0 : i32
    %dma_start3A_422 = tpu.memref_slice %arg4[%dma_start3A_421, %multiple_of3A_417] : memref<8x8192xf32, #tpu.memory_space<vmem>> -> memref<8x4096xf32, #tpu.memory_space<vmem>>
    %dma_start3A_423 = arith.constant 0 : i32
    %dma_start3A_424 = tpu.memref_slice %arg3[%multiple_of3A_420, %dma_start3A_423] : memref<4096x4096xf32, #tpu.memory_space<hbm>> -> memref<8x4096xf32, #tpu.memory_space<hbm>>
    %dma_start3A_425 = arith.constant 0 : i32
    %dma_start3A_426 = tpu.memref_slice %arg3[%multiple_of3A_420, %dma_start3A_425] : memref<4096x4096xf32, #tpu.memory_space<hbm>> -> memref<8x4096xf32, #tpu.memory_space<hbm>>
    %dma_start3A_427 = arith.constant 0 : i32
    %dma_start3A_428 = tpu.memref_slice %arg4[%dma_start3A_427, %multiple_of3A_417] : memref<8x8192xf32, #tpu.memory_space<vmem>> -> memref<8x4096xf32, #tpu.memory_space<vmem>>
    tpu.enqueue_dma source(%dma_start3A_428 : memref<8x4096xf32, #tpu.memory_space<vmem>>) target(%dma_start3A_426 : memref<8x4096xf32, #tpu.memory_space<hbm>>) target_semaphore(%arg6 : memref<!tpu.dma_semaphore, #tpu.memory_space<semaphore_mem>>)
    %dma_wait3A_429 = arith.constant 0 : i32
    %dma_wait3A_430 = tpu.memref_slice %arg4[%dma_wait3A_429, %multiple_of3A_60] : memref<8x8192xf32, #tpu.memory_space<vmem>> -> memref<8x4096xf32, #tpu.memory_space<vmem>>
    %dma_wait3A_431 = arith.constant 0 : i32
    %dma_wait3A_432 = tpu.memref_slice %arg3[%multiple_of3A_63, %dma_wait3A_431] : memref<4096x4096xf32, #tpu.memory_space<hbm>> -> memref<8x4096xf32, #tpu.memory_space<hbm>>
    %dma_wait3A_433 = arith.constant 0 : i32
    %dma_wait3A_434 = tpu.memref_slice %arg3[%multiple_of3A_63, %dma_wait3A_433] : memref<4096x4096xf32, #tpu.memory_space<hbm>> -> memref<8x4096xf32, #tpu.memory_space<hbm>>
    %dma_wait3A_435 = arith.constant 0 : i32
    %dma_wait3A_436 = tpu.memref_slice %arg4[%dma_wait3A_435, %multiple_of3A_60] : memref<8x8192xf32, #tpu.memory_space<vmem>> -> memref<8x4096xf32, #tpu.memory_space<vmem>>
    tpu.wait_dma2 semaphore(%arg6 : memref<!tpu.dma_semaphore, #tpu.memory_space<semaphore_mem>>) src(%dma_wait3A_436 : memref<8x4096xf32, #tpu.memory_space<vmem>>) dst(%dma_wait3A_434 : memref<8x4096xf32, #tpu.memory_space<hbm>>)
    %dma_wait3A_437 = arith.constant 0 : i32
    %dma_wait3A_438 = tpu.memref_slice %arg4[%dma_wait3A_437, %multiple_of3A_95] : memref<8x8192xf32, #tpu.memory_space<vmem>> -> memref<8x4096xf32, #tpu.memory_space<vmem>>
    %dma_wait3A_439 = arith.constant 0 : i32
    %dma_wait3A_440 = tpu.memref_slice %arg3[%multiple_of3A_98, %dma_wait3A_439] : memref<4096x4096xf32, #tpu.memory_space<hbm>> -> memref<8x4096xf32, #tpu.memory_space<hbm>>
    %dma_wait3A_441 = arith.constant 0 : i32
    %dma_wait3A_442 = tpu.memref_slice %arg3[%multiple_of3A_98, %dma_wait3A_441] : memref<4096x4096xf32, #tpu.memory_space<hbm>> -> memref<8x4096xf32, #tpu.memory_space<hbm>>
    %dma_wait3A_443 = arith.constant 0 : i32
    %dma_wait3A_444 = tpu.memref_slice %arg4[%dma_wait3A_443, %multiple_of3A_95] : memref<8x8192xf32, #tpu.memory_space<vmem>> -> memref<8x4096xf32, #tpu.memory_space<vmem>>
    tpu.wait_dma2 semaphore(%arg6 : memref<!tpu.dma_semaphore, #tpu.memory_space<semaphore_mem>>) src(%dma_wait3A_444 : memref<8x4096xf32, #tpu.memory_space<vmem>>) dst(%dma_wait3A_442 : memref<8x4096xf32, #tpu.memory_space<hbm>>)
    %dma_wait3A_445 = arith.constant 0 : i32
    %dma_wait3A_446 = tpu.memref_slice %arg4[%dma_wait3A_445, %multiple_of3A_118] : memref<8x8192xf32, #tpu.memory_space<vmem>> -> memref<8x4096xf32, #tpu.memory_space<vmem>>
    %dma_wait3A_447 = arith.constant 0 : i32
    %dma_wait3A_448 = tpu.memref_slice %arg3[%multiple_of3A_121, %dma_wait3A_447] : memref<4096x4096xf32, #tpu.memory_space<hbm>> -> memref<8x4096xf32, #tpu.memory_space<hbm>>
    %dma_wait3A_449 = arith.constant 0 : i32
    %dma_wait3A_450 = tpu.memref_slice %arg3[%multiple_of3A_121, %dma_wait3A_449] : memref<4096x4096xf32, #tpu.memory_space<hbm>> -> memref<8x4096xf32, #tpu.memory_space<hbm>>
    %dma_wait3A_451 = arith.constant 0 : i32
    %dma_wait3A_452 = tpu.memref_slice %arg4[%dma_wait3A_451, %multiple_of3A_118] : memref<8x8192xf32, #tpu.memory_space<vmem>> -> memref<8x4096xf32, #tpu.memory_space<vmem>>
    tpu.wait_dma2 semaphore(%arg6 : memref<!tpu.dma_semaphore, #tpu.memory_space<semaphore_mem>>) src(%dma_wait3A_452 : memref<8x4096xf32, #tpu.memory_space<vmem>>) dst(%dma_wait3A_450 : memref<8x4096xf32, #tpu.memory_space<hbm>>)
    %dma_wait3A_453 = arith.constant 0 : i32
    %dma_wait3A_454 = tpu.memref_slice %arg4[%dma_wait3A_453, %multiple_of3A_141] : memref<8x8192xf32, #tpu.memory_space<vmem>> -> memref<8x4096xf32, #tpu.memory_space<vmem>>
    %dma_wait3A_455 = arith.constant 0 : i32
    %dma_wait3A_456 = tpu.memref_slice %arg3[%multiple_of3A_144, %dma_wait3A_455] : memref<4096x4096xf32, #tpu.memory_space<hbm>> -> memref<8x4096xf32, #tpu.memory_space<hbm>>
    %dma_wait3A_457 = arith.constant 0 : i32
    %dma_wait3A_458 = tpu.memref_slice %arg3[%multiple_of3A_144, %dma_wait3A_457] : memref<4096x4096xf32, #tpu.memory_space<hbm>> -> memref<8x4096xf32, #tpu.memory_space<hbm>>
    %dma_wait3A_459 = arith.constant 0 : i32
    %dma_wait3A_460 = tpu.memref_slice %arg4[%dma_wait3A_459, %multiple_of3A_141] : memref<8x8192xf32, #tpu.memory_space<vmem>> -> memref<8x4096xf32, #tpu.memory_space<vmem>>
    tpu.wait_dma2 semaphore(%arg6 : memref<!tpu.dma_semaphore, #tpu.memory_space<semaphore_mem>>) src(%dma_wait3A_460 : memref<8x4096xf32, #tpu.memory_space<vmem>>) dst(%dma_wait3A_458 : memref<8x4096xf32, #tpu.memory_space<hbm>>)
    %dma_wait3A_461 = arith.constant 0 : i32
    %dma_wait3A_462 = tpu.memref_slice %arg4[%dma_wait3A_461, %multiple_of3A_164] : memref<8x8192xf32, #tpu.memory_space<vmem>> -> memref<8x4096xf32, #tpu.memory_space<vmem>>
    %dma_wait3A_463 = arith.constant 0 : i32
    %dma_wait3A_464 = tpu.memref_slice %arg3[%multiple_of3A_167, %dma_wait3A_463] : memref<4096x4096xf32, #tpu.memory_space<hbm>> -> memref<8x4096xf32, #tpu.memory_space<hbm>>
    %dma_wait3A_465 = arith.constant 0 : i32
    %dma_wait3A_466 = tpu.memref_slice %arg3[%multiple_of3A_167, %dma_wait3A_465] : memref<4096x4096xf32, #tpu.memory_space<hbm>> -> memref<8x4096xf32, #tpu.memory_space<hbm>>
    %dma_wait3A_467 = arith.constant 0 : i32
    %dma_wait3A_468 = tpu.memref_slice %arg4[%dma_wait3A_467, %multiple_of3A_164] : memref<8x8192xf32, #tpu.memory_space<vmem>> -> memref<8x4096xf32, #tpu.memory_space<vmem>>
    tpu.wait_dma2 semaphore(%arg6 : memref<!tpu.dma_semaphore, #tpu.memory_space<semaphore_mem>>) src(%dma_wait3A_468 : memref<8x4096xf32, #tpu.memory_space<vmem>>) dst(%dma_wait3A_466 : memref<8x4096xf32, #tpu.memory_space<hbm>>)
    %dma_wait3A_469 = arith.constant 0 : i32
    %dma_wait3A_470 = tpu.memref_slice %arg4[%dma_wait3A_469, %multiple_of3A_187] : memref<8x8192xf32, #tpu.memory_space<vmem>> -> memref<8x4096xf32, #tpu.memory_space<vmem>>
    %dma_wait3A_471 = arith.constant 0 : i32
    %dma_wait3A_472 = tpu.memref_slice %arg3[%multiple_of3A_190, %dma_wait3A_471] : memref<4096x4096xf32, #tpu.memory_space<hbm>> -> memref<8x4096xf32, #tpu.memory_space<hbm>>
    %dma_wait3A_473 = arith.constant 0 : i32
    %dma_wait3A_474 = tpu.memref_slice %arg3[%multiple_of3A_190, %dma_wait3A_473] : memref<4096x4096xf32, #tpu.memory_space<hbm>> -> memref<8x4096xf32, #tpu.memory_space<hbm>>
    %dma_wait3A_475 = arith.constant 0 : i32
    %dma_wait3A_476 = tpu.memref_slice %arg4[%dma_wait3A_475, %multiple_of3A_187] : memref<8x8192xf32, #tpu.memory_space<vmem>> -> memref<8x4096xf32, #tpu.memory_space<vmem>>
    tpu.wait_dma2 semaphore(%arg6 : memref<!tpu.dma_semaphore, #tpu.memory_space<semaphore_mem>>) src(%dma_wait3A_476 : memref<8x4096xf32, #tpu.memory_space<vmem>>) dst(%dma_wait3A_474 : memref<8x4096xf32, #tpu.memory_space<hbm>>)
    %dma_wait3A_477 = arith.constant 0 : i32
    %dma_wait3A_478 = tpu.memref_slice %arg4[%dma_wait3A_477, %multiple_of3A_210] : memref<8x8192xf32, #tpu.memory_space<vmem>> -> memref<8x4096xf32, #tpu.memory_space<vmem>>
    %dma_wait3A_479 = arith.constant 0 : i32
    %dma_wait3A_480 = tpu.memref_slice %arg3[%multiple_of3A_213, %dma_wait3A_479] : memref<4096x4096xf32, #tpu.memory_space<hbm>> -> memref<8x4096xf32, #tpu.memory_space<hbm>>
    %dma_wait3A_481 = arith.constant 0 : i32
    %dma_wait3A_482 = tpu.memref_slice %arg3[%multiple_of3A_213, %dma_wait3A_481] : memref<4096x4096xf32, #tpu.memory_space<hbm>> -> memref<8x4096xf32, #tpu.memory_space<hbm>>
    %dma_wait3A_483 = arith.constant 0 : i32
    %dma_wait3A_484 = tpu.memref_slice %arg4[%dma_wait3A_483, %multiple_of3A_210] : memref<8x8192xf32, #tpu.memory_space<vmem>> -> memref<8x4096xf32, #tpu.memory_space<vmem>>
    tpu.wait_dma2 semaphore(%arg6 : memref<!tpu.dma_semaphore, #tpu.memory_space<semaphore_mem>>) src(%dma_wait3A_484 : memref<8x4096xf32, #tpu.memory_space<vmem>>) dst(%dma_wait3A_482 : memref<8x4096xf32, #tpu.memory_space<hbm>>)
    %dma_wait3A_485 = arith.constant 0 : i32
    %dma_wait3A_486 = tpu.memref_slice %arg4[%dma_wait3A_485, %multiple_of3A_233] : memref<8x8192xf32, #tpu.memory_space<vmem>> -> memref<8x4096xf32, #tpu.memory_space<vmem>>
    %dma_wait3A_487 = arith.constant 0 : i32
    %dma_wait3A_488 = tpu.memref_slice %arg3[%multiple_of3A_236, %dma_wait3A_487] : memref<4096x4096xf32, #tpu.memory_space<hbm>> -> memref<8x4096xf32, #tpu.memory_space<hbm>>
    %dma_wait3A_489 = arith.constant 0 : i32
    %dma_wait3A_490 = tpu.memref_slice %arg3[%multiple_of3A_236, %dma_wait3A_489] : memref<4096x4096xf32, #tpu.memory_space<hbm>> -> memref<8x4096xf32, #tpu.memory_space<hbm>>
    %dma_wait3A_491 = arith.constant 0 : i32
    %dma_wait3A_492 = tpu.memref_slice %arg4[%dma_wait3A_491, %multiple_of3A_233] : memref<8x8192xf32, #tpu.memory_space<vmem>> -> memref<8x4096xf32, #tpu.memory_space<vmem>>
    tpu.wait_dma2 semaphore(%arg6 : memref<!tpu.dma_semaphore, #tpu.memory_space<semaphore_mem>>) src(%dma_wait3A_492 : memref<8x4096xf32, #tpu.memory_space<vmem>>) dst(%dma_wait3A_490 : memref<8x4096xf32, #tpu.memory_space<hbm>>)
    %dma_wait3A_493 = arith.constant 0 : i32
    %dma_wait3A_494 = tpu.memref_slice %arg4[%dma_wait3A_493, %multiple_of3A_256] : memref<8x8192xf32, #tpu.memory_space<vmem>> -> memref<8x4096xf32, #tpu.memory_space<vmem>>
    %dma_wait3A_495 = arith.constant 0 : i32
    %dma_wait3A_496 = tpu.memref_slice %arg3[%multiple_of3A_259, %dma_wait3A_495] : memref<4096x4096xf32, #tpu.memory_space<hbm>> -> memref<8x4096xf32, #tpu.memory_space<hbm>>
    %dma_wait3A_497 = arith.constant 0 : i32
    %dma_wait3A_498 = tpu.memref_slice %arg3[%multiple_of3A_259, %dma_wait3A_497] : memref<4096x4096xf32, #tpu.memory_space<hbm>> -> memref<8x4096xf32, #tpu.memory_space<hbm>>
    %dma_wait3A_499 = arith.constant 0 : i32
    %dma_wait3A_500 = tpu.memref_slice %arg4[%dma_wait3A_499, %multiple_of3A_256] : memref<8x8192xf32, #tpu.memory_space<vmem>> -> memref<8x4096xf32, #tpu.memory_space<vmem>>
    tpu.wait_dma2 semaphore(%arg6 : memref<!tpu.dma_semaphore, #tpu.memory_space<semaphore_mem>>) src(%dma_wait3A_500 : memref<8x4096xf32, #tpu.memory_space<vmem>>) dst(%dma_wait3A_498 : memref<8x4096xf32, #tpu.memory_space<hbm>>)
    %dma_wait3A_501 = arith.constant 0 : i32
    %dma_wait3A_502 = tpu.memref_slice %arg4[%dma_wait3A_501, %multiple_of3A_279] : memref<8x8192xf32, #tpu.memory_space<vmem>> -> memref<8x4096xf32, #tpu.memory_space<vmem>>
    %dma_wait3A_503 = arith.constant 0 : i32
    %dma_wait3A_504 = tpu.memref_slice %arg3[%multiple_of3A_282, %dma_wait3A_503] : memref<4096x4096xf32, #tpu.memory_space<hbm>> -> memref<8x4096xf32, #tpu.memory_space<hbm>>
    %dma_wait3A_505 = arith.constant 0 : i32
    %dma_wait3A_506 = tpu.memref_slice %arg3[%multiple_of3A_282, %dma_wait3A_505] : memref<4096x4096xf32, #tpu.memory_space<hbm>> -> memref<8x4096xf32, #tpu.memory_space<hbm>>
    %dma_wait3A_507 = arith.constant 0 : i32
    %dma_wait3A_508 = tpu.memref_slice %arg4[%dma_wait3A_507, %multiple_of3A_279] : memref<8x8192xf32, #tpu.memory_space<vmem>> -> memref<8x4096xf32, #tpu.memory_space<vmem>>
    tpu.wait_dma2 semaphore(%arg6 : memref<!tpu.dma_semaphore, #tpu.memory_space<semaphore_mem>>) src(%dma_wait3A_508 : memref<8x4096xf32, #tpu.memory_space<vmem>>) dst(%dma_wait3A_506 : memref<8x4096xf32, #tpu.memory_space<hbm>>)
    %dma_wait3A_509 = arith.constant 0 : i32
    %dma_wait3A_510 = tpu.memref_slice %arg4[%dma_wait3A_509, %multiple_of3A_302] : memref<8x8192xf32, #tpu.memory_space<vmem>> -> memref<8x4096xf32, #tpu.memory_space<vmem>>
    %dma_wait3A_511 = arith.constant 0 : i32
    %dma_wait3A_512 = tpu.memref_slice %arg3[%multiple_of3A_305, %dma_wait3A_511] : memref<4096x4096xf32, #tpu.memory_space<hbm>> -> memref<8x4096xf32, #tpu.memory_space<hbm>>
    %dma_wait3A_513 = arith.constant 0 : i32
    %dma_wait3A_514 = tpu.memref_slice %arg3[%multiple_of3A_305, %dma_wait3A_513] : memref<4096x4096xf32, #tpu.memory_space<hbm>> -> memref<8x4096xf32, #tpu.memory_space<hbm>>
    %dma_wait3A_515 = arith.constant 0 : i32
    %dma_wait3A_516 = tpu.memref_slice %arg4[%dma_wait3A_515, %multiple_of3A_302] : memref<8x8192xf32, #tpu.memory_space<vmem>> -> memref<8x4096xf32, #tpu.memory_space<vmem>>
    tpu.wait_dma2 semaphore(%arg6 : memref<!tpu.dma_semaphore, #tpu.memory_space<semaphore_mem>>) src(%dma_wait3A_516 : memref<8x4096xf32, #tpu.memory_space<vmem>>) dst(%dma_wait3A_514 : memref<8x4096xf32, #tpu.memory_space<hbm>>)
    %dma_wait3A_517 = arith.constant 0 : i32
    %dma_wait3A_518 = tpu.memref_slice %arg4[%dma_wait3A_517, %multiple_of3A_325] : memref<8x8192xf32, #tpu.memory_space<vmem>> -> memref<8x4096xf32, #tpu.memory_space<vmem>>
    %dma_wait3A_519 = arith.constant 0 : i32
    %dma_wait3A_520 = tpu.memref_slice %arg3[%multiple_of3A_328, %dma_wait3A_519] : memref<4096x4096xf32, #tpu.memory_space<hbm>> -> memref<8x4096xf32, #tpu.memory_space<hbm>>
    %dma_wait3A_521 = arith.constant 0 : i32
    %dma_wait3A_522 = tpu.memref_slice %arg3[%multiple_of3A_328, %dma_wait3A_521] : memref<4096x4096xf32, #tpu.memory_space<hbm>> -> memref<8x4096xf32, #tpu.memory_space<hbm>>
    %dma_wait3A_523 = arith.constant 0 : i32
    %dma_wait3A_524 = tpu.memref_slice %arg4[%dma_wait3A_523, %multiple_of3A_325] : memref<8x8192xf32, #tpu.memory_space<vmem>> -> memref<8x4096xf32, #tpu.memory_space<vmem>>
    tpu.wait_dma2 semaphore(%arg6 : memref<!tpu.dma_semaphore, #tpu.memory_space<semaphore_mem>>) src(%dma_wait3A_524 : memref<8x4096xf32, #tpu.memory_space<vmem>>) dst(%dma_wait3A_522 : memref<8x4096xf32, #tpu.memory_space<hbm>>)
    %dma_wait3A_525 = arith.constant 0 : i32
    %dma_wait3A_526 = tpu.memref_slice %arg4[%dma_wait3A_525, %multiple_of3A_348] : memref<8x8192xf32, #tpu.memory_space<vmem>> -> memref<8x4096xf32, #tpu.memory_space<vmem>>
    %dma_wait3A_527 = arith.constant 0 : i32
    %dma_wait3A_528 = tpu.memref_slice %arg3[%multiple_of3A_351, %dma_wait3A_527] : memref<4096x4096xf32, #tpu.memory_space<hbm>> -> memref<8x4096xf32, #tpu.memory_space<hbm>>
    %dma_wait3A_529 = arith.constant 0 : i32
    %dma_wait3A_530 = tpu.memref_slice %arg3[%multiple_of3A_351, %dma_wait3A_529] : memref<4096x4096xf32, #tpu.memory_space<hbm>> -> memref<8x4096xf32, #tpu.memory_space<hbm>>
    %dma_wait3A_531 = arith.constant 0 : i32
    %dma_wait3A_532 = tpu.memref_slice %arg4[%dma_wait3A_531, %multiple_of3A_348] : memref<8x8192xf32, #tpu.memory_space<vmem>> -> memref<8x4096xf32, #tpu.memory_space<vmem>>
    tpu.wait_dma2 semaphore(%arg6 : memref<!tpu.dma_semaphore, #tpu.memory_space<semaphore_mem>>) src(%dma_wait3A_532 : memref<8x4096xf32, #tpu.memory_space<vmem>>) dst(%dma_wait3A_530 : memref<8x4096xf32, #tpu.memory_space<hbm>>)
    %dma_wait3A_533 = arith.constant 0 : i32
    %dma_wait3A_534 = tpu.memref_slice %arg4[%dma_wait3A_533, %multiple_of3A_371] : memref<8x8192xf32, #tpu.memory_space<vmem>> -> memref<8x4096xf32, #tpu.memory_space<vmem>>
    %dma_wait3A_535 = arith.constant 0 : i32
    %dma_wait3A_536 = tpu.memref_slice %arg3[%multiple_of3A_374, %dma_wait3A_535] : memref<4096x4096xf32, #tpu.memory_space<hbm>> -> memref<8x4096xf32, #tpu.memory_space<hbm>>
    %dma_wait3A_537 = arith.constant 0 : i32
    %dma_wait3A_538 = tpu.memref_slice %arg3[%multiple_of3A_374, %dma_wait3A_537] : memref<4096x4096xf32, #tpu.memory_space<hbm>> -> memref<8x4096xf32, #tpu.memory_space<hbm>>
    %dma_wait3A_539 = arith.constant 0 : i32
    %dma_wait3A_540 = tpu.memref_slice %arg4[%dma_wait3A_539, %multiple_of3A_371] : memref<8x8192xf32, #tpu.memory_space<vmem>> -> memref<8x4096xf32, #tpu.memory_space<vmem>>
    tpu.wait_dma2 semaphore(%arg6 : memref<!tpu.dma_semaphore, #tpu.memory_space<semaphore_mem>>) src(%dma_wait3A_540 : memref<8x4096xf32, #tpu.memory_space<vmem>>) dst(%dma_wait3A_538 : memref<8x4096xf32, #tpu.memory_space<hbm>>)
    %dma_wait3A_541 = arith.constant 0 : i32
    %dma_wait3A_542 = tpu.memref_slice %arg4[%dma_wait3A_541, %multiple_of3A_394] : memref<8x8192xf32, #tpu.memory_space<vmem>> -> memref<8x4096xf32, #tpu.memory_space<vmem>>
    %dma_wait3A_543 = arith.constant 0 : i32
    %dma_wait3A_544 = tpu.memref_slice %arg3[%multiple_of3A_397, %dma_wait3A_543] : memref<4096x4096xf32, #tpu.memory_space<hbm>> -> memref<8x4096xf32, #tpu.memory_space<hbm>>
    %dma_wait3A_545 = arith.constant 0 : i32
    %dma_wait3A_546 = tpu.memref_slice %arg3[%multiple_of3A_397, %dma_wait3A_545] : memref<4096x4096xf32, #tpu.memory_space<hbm>> -> memref<8x4096xf32, #tpu.memory_space<hbm>>
    %dma_wait3A_547 = arith.constant 0 : i32
    %dma_wait3A_548 = tpu.memref_slice %arg4[%dma_wait3A_547, %multiple_of3A_394] : memref<8x8192xf32, #tpu.memory_space<vmem>> -> memref<8x4096xf32, #tpu.memory_space<vmem>>
    tpu.wait_dma2 semaphore(%arg6 : memref<!tpu.dma_semaphore, #tpu.memory_space<semaphore_mem>>) src(%dma_wait3A_548 : memref<8x4096xf32, #tpu.memory_space<vmem>>) dst(%dma_wait3A_546 : memref<8x4096xf32, #tpu.memory_space<hbm>>)
    %dma_wait3A_549 = arith.constant 0 : i32
    %dma_wait3A_550 = tpu.memref_slice %arg4[%dma_wait3A_549, %multiple_of3A_417] : memref<8x8192xf32, #tpu.memory_space<vmem>> -> memref<8x4096xf32, #tpu.memory_space<vmem>>
    %dma_wait3A_551 = arith.constant 0 : i32
    %dma_wait3A_552 = tpu.memref_slice %arg3[%multiple_of3A_420, %dma_wait3A_551] : memref<4096x4096xf32, #tpu.memory_space<hbm>> -> memref<8x4096xf32, #tpu.memory_space<hbm>>
    %dma_wait3A_553 = arith.constant 0 : i32
    %dma_wait3A_554 = tpu.memref_slice %arg3[%multiple_of3A_420, %dma_wait3A_553] : memref<4096x4096xf32, #tpu.memory_space<hbm>> -> memref<8x4096xf32, #tpu.memory_space<hbm>>
    %dma_wait3A_555 = arith.constant 0 : i32
    %dma_wait3A_556 = tpu.memref_slice %arg4[%dma_wait3A_555, %multiple_of3A_417] : memref<8x8192xf32, #tpu.memory_space<vmem>> -> memref<8x4096xf32, #tpu.memory_space<vmem>>
    tpu.wait_dma2 semaphore(%arg6 : memref<!tpu.dma_semaphore, #tpu.memory_space<semaphore_mem>>) src(%dma_wait3A_556 : memref<8x4096xf32, #tpu.memory_space<vmem>>) dst(%dma_wait3A_554 : memref<8x4096xf32, #tpu.memory_space<hbm>>)
    return
  }
}

module attributes {stable_mosaic.version = 14 : i64} {
  func.func @_u_body(%arg0: memref<32xf32, #tpu.memory_space<smem>>, %arg1: memref<128x8192xf32, #tpu.memory_space<vmem>>) attributes {dimension_semantics = [], scalar_prefetch = 0 : i64, scratch_operands = 0 : i64, tpu.core_type = #tpu.core_type<tc>} {
    %iota3A = tpu.iota {dimensions = array<i32: 0>} : vector<8x384xi32>
    %iota3A_0 = tpu.iota {dimensions = array<i32: 1>} : vector<8x384xi32>
    %sub3A = arith.constant 7 : i32
    %sub3A_1 = vector.broadcast %sub3A : i32 to vector<8x384xi32>
    %sub3A_2 = arith.subi %sub3A_1, %iota3A : vector<8x384xi32>
    %add3A = arith.constant 3952 : i32
    %add3A_3 = vector.broadcast %add3A : i32 to vector<8x384xi32>
    %add3A_4 = arith.addi %iota3A_0, %add3A_3 : vector<8x384xi32>
    %add3A_5 = arith.addi %sub3A_2, %add3A_4 : vector<8x384xi32>
    %sub3A_6 = arith.constant 4095 : i32
    %sub3A_7 = vector.broadcast %sub3A_6 : i32 to vector<8x384xi32>
    %sub3A_8 = arith.subi %add3A_5, %sub3A_7 : vector<8x384xi32>
    %abs3A = math.absi %sub3A_8 : vector<8x384xi32>
    %lt3A = arith.constant 16 : i32
    %lt3A_9 = vector.broadcast %lt3A : i32 to vector<8x384xi32>
    %lt3A_10 = arith.cmpi slt, %abs3A, %lt3A_9 : vector<8x384xi32>
    %convert_element_type3A = arith.sitofp %abs3A : vector<8x384xi32> to vector<8x384xf32>
    %div3A = arith.constant 1.600000e+01 : f32
    %div3A_11 = vector.broadcast %div3A : f32 to vector<8x384xf32>
    %div3A_12 = arith.divf %convert_element_type3A, %div3A_11 : vector<8x384xf32>
    %add3A_13 = arith.constant 9.99999997E-7 : f32
    %add3A_14 = vector.broadcast %add3A_13 : f32 to vector<8x384xf32>
    %add3A_15 = arith.addf %div3A_12, %add3A_14 : vector<8x384xf32>
    %log3A = math.log %add3A_15 : vector<8x384xf32>
    %div3A_16 = arith.constant 2.0794425 : f32
    %div3A_17 = vector.broadcast %div3A_16 : f32 to vector<8x384xf32>
    %div3A_18 = arith.divf %log3A, %div3A_17 : vector<8x384xf32>
    %mul3A = arith.constant 1.500000e+01 : f32
    %mul3A_19 = vector.broadcast %mul3A : f32 to vector<8x384xf32>
    %mul3A_20 = arith.mulf %div3A_18, %mul3A_19 : vector<8x384xf32>
    %floor3A = math.floor %mul3A_20 : vector<8x384xf32>
    %jit3A = arith.constant 0 : i32
    %jit3A_21 = arith.constant 15 : i32
    %convert_element_type3A_22 = arith.sitofp %jit3A : i32 to f32
    %max3A = vector.broadcast %convert_element_type3A_22 : f32 to vector<8x384xf32>
    %max3A_23 = arith.maximumf %max3A, %floor3A : vector<8x384xf32>
    %convert_element_type3A_24 = arith.sitofp %jit3A_21 : i32 to f32
    %min3A = vector.broadcast %convert_element_type3A_24 : f32 to vector<8x384xf32>
    %min3A_25 = arith.minimumf %min3A, %max3A_23 : vector<8x384xf32>
    %add3A_26 = arith.constant 1.600000e+01 : f32
    %add3A_27 = vector.broadcast %add3A_26 : f32 to vector<8x384xf32>
    %add3A_28 = arith.addf %add3A_27, %min3A_25 : vector<8x384xf32>
    %convert_element_type3A_29 = arith.fptosi %add3A_28 : vector<8x384xf32> to vector<8x384xi32>
    %select_n3A = arith.select %lt3A_10, %abs3A, %convert_element_type3A_29 : vector<8x384xi1>, vector<8x384xi32>
    %broadcast_in_dim3A = arith.constant 0.000000e+00 : f32
    %broadcast_in_dim3A_30 = vector.broadcast %broadcast_in_dim3A : f32 to vector<8x384xf32>
    %eq3A = arith.constant 0 : i32
    %eq3A_31 = vector.broadcast %eq3A : i32 to vector<8x384xi32>
    %eq3A_32 = arith.cmpi eq, %select_n3A, %eq3A_31 : vector<8x384xi32>
    %get3A = arith.constant 0 : index
    %get3A_33 = memref.load %arg0[%get3A] : memref<32xf32, #tpu.memory_space<smem>>
    %jit3A_34 = arith.constant 0.000000e+00 : f32
    %broadcast_in_dim3A_35 = vector.broadcast %get3A_33 : f32 to vector<8x384xf32>
    %broadcast_in_dim3A_36 = vector.broadcast %jit3A_34 : f32 to vector<8x384xf32>
    %select_n3A_37 = arith.select %eq3A_32, %broadcast_in_dim3A_35, %broadcast_in_dim3A_36 : vector<8x384xi1>, vector<8x384xf32>
    %add3A_38 = arith.addf %broadcast_in_dim3A_30, %select_n3A_37 : vector<8x384xf32>
    %eq3A_39 = arith.constant 1 : i32
    %eq3A_40 = vector.broadcast %eq3A_39 : i32 to vector<8x384xi32>
    %eq3A_41 = arith.cmpi eq, %select_n3A, %eq3A_40 : vector<8x384xi32>
    %get3A_42 = arith.constant 1 : index
    %get3A_43 = memref.load %arg0[%get3A_42] : memref<32xf32, #tpu.memory_space<smem>>
    %jit3A_44 = arith.constant 0.000000e+00 : f32
    %broadcast_in_dim3A_45 = vector.broadcast %get3A_43 : f32 to vector<8x384xf32>
    %broadcast_in_dim3A_46 = vector.broadcast %jit3A_44 : f32 to vector<8x384xf32>
    %select_n3A_47 = arith.select %eq3A_41, %broadcast_in_dim3A_45, %broadcast_in_dim3A_46 : vector<8x384xi1>, vector<8x384xf32>
    %add3A_48 = arith.addf %add3A_38, %select_n3A_47 : vector<8x384xf32>
    %eq3A_49 = arith.constant 2 : i32
    %eq3A_50 = vector.broadcast %eq3A_49 : i32 to vector<8x384xi32>
    %eq3A_51 = arith.cmpi eq, %select_n3A, %eq3A_50 : vector<8x384xi32>
    %get3A_52 = arith.constant 2 : index
    %get3A_53 = memref.load %arg0[%get3A_52] : memref<32xf32, #tpu.memory_space<smem>>
    %jit3A_54 = arith.constant 0.000000e+00 : f32
    %broadcast_in_dim3A_55 = vector.broadcast %get3A_53 : f32 to vector<8x384xf32>
    %broadcast_in_dim3A_56 = vector.broadcast %jit3A_54 : f32 to vector<8x384xf32>
    %select_n3A_57 = arith.select %eq3A_51, %broadcast_in_dim3A_55, %broadcast_in_dim3A_56 : vector<8x384xi1>, vector<8x384xf32>
    %add3A_58 = arith.addf %add3A_48, %select_n3A_57 : vector<8x384xf32>
    %eq3A_59 = arith.constant 3 : i32
    %eq3A_60 = vector.broadcast %eq3A_59 : i32 to vector<8x384xi32>
    %eq3A_61 = arith.cmpi eq, %select_n3A, %eq3A_60 : vector<8x384xi32>
    %get3A_62 = arith.constant 3 : index
    %get3A_63 = memref.load %arg0[%get3A_62] : memref<32xf32, #tpu.memory_space<smem>>
    %jit3A_64 = arith.constant 0.000000e+00 : f32
    %broadcast_in_dim3A_65 = vector.broadcast %get3A_63 : f32 to vector<8x384xf32>
    %broadcast_in_dim3A_66 = vector.broadcast %jit3A_64 : f32 to vector<8x384xf32>
    %select_n3A_67 = arith.select %eq3A_61, %broadcast_in_dim3A_65, %broadcast_in_dim3A_66 : vector<8x384xi1>, vector<8x384xf32>
    %add3A_68 = arith.addf %add3A_58, %select_n3A_67 : vector<8x384xf32>
    %eq3A_69 = arith.constant 4 : i32
    %eq3A_70 = vector.broadcast %eq3A_69 : i32 to vector<8x384xi32>
    %eq3A_71 = arith.cmpi eq, %select_n3A, %eq3A_70 : vector<8x384xi32>
    %get3A_72 = arith.constant 4 : index
    %get3A_73 = memref.load %arg0[%get3A_72] : memref<32xf32, #tpu.memory_space<smem>>
    %jit3A_74 = arith.constant 0.000000e+00 : f32
    %broadcast_in_dim3A_75 = vector.broadcast %get3A_73 : f32 to vector<8x384xf32>
    %broadcast_in_dim3A_76 = vector.broadcast %jit3A_74 : f32 to vector<8x384xf32>
    %select_n3A_77 = arith.select %eq3A_71, %broadcast_in_dim3A_75, %broadcast_in_dim3A_76 : vector<8x384xi1>, vector<8x384xf32>
    %add3A_78 = arith.addf %add3A_68, %select_n3A_77 : vector<8x384xf32>
    %eq3A_79 = arith.constant 5 : i32
    %eq3A_80 = vector.broadcast %eq3A_79 : i32 to vector<8x384xi32>
    %eq3A_81 = arith.cmpi eq, %select_n3A, %eq3A_80 : vector<8x384xi32>
    %get3A_82 = arith.constant 5 : index
    %get3A_83 = memref.load %arg0[%get3A_82] : memref<32xf32, #tpu.memory_space<smem>>
    %jit3A_84 = arith.constant 0.000000e+00 : f32
    %broadcast_in_dim3A_85 = vector.broadcast %get3A_83 : f32 to vector<8x384xf32>
    %broadcast_in_dim3A_86 = vector.broadcast %jit3A_84 : f32 to vector<8x384xf32>
    %select_n3A_87 = arith.select %eq3A_81, %broadcast_in_dim3A_85, %broadcast_in_dim3A_86 : vector<8x384xi1>, vector<8x384xf32>
    %add3A_88 = arith.addf %add3A_78, %select_n3A_87 : vector<8x384xf32>
    %eq3A_89 = arith.constant 6 : i32
    %eq3A_90 = vector.broadcast %eq3A_89 : i32 to vector<8x384xi32>
    %eq3A_91 = arith.cmpi eq, %select_n3A, %eq3A_90 : vector<8x384xi32>
    %get3A_92 = arith.constant 6 : index
    %get3A_93 = memref.load %arg0[%get3A_92] : memref<32xf32, #tpu.memory_space<smem>>
    %jit3A_94 = arith.constant 0.000000e+00 : f32
    %broadcast_in_dim3A_95 = vector.broadcast %get3A_93 : f32 to vector<8x384xf32>
    %broadcast_in_dim3A_96 = vector.broadcast %jit3A_94 : f32 to vector<8x384xf32>
    %select_n3A_97 = arith.select %eq3A_91, %broadcast_in_dim3A_95, %broadcast_in_dim3A_96 : vector<8x384xi1>, vector<8x384xf32>
    %add3A_98 = arith.addf %add3A_88, %select_n3A_97 : vector<8x384xf32>
    %eq3A_99 = arith.constant 7 : i32
    %eq3A_100 = vector.broadcast %eq3A_99 : i32 to vector<8x384xi32>
    %eq3A_101 = arith.cmpi eq, %select_n3A, %eq3A_100 : vector<8x384xi32>
    %get3A_102 = arith.constant 7 : index
    %get3A_103 = memref.load %arg0[%get3A_102] : memref<32xf32, #tpu.memory_space<smem>>
    %jit3A_104 = arith.constant 0.000000e+00 : f32
    %broadcast_in_dim3A_105 = vector.broadcast %get3A_103 : f32 to vector<8x384xf32>
    %broadcast_in_dim3A_106 = vector.broadcast %jit3A_104 : f32 to vector<8x384xf32>
    %select_n3A_107 = arith.select %eq3A_101, %broadcast_in_dim3A_105, %broadcast_in_dim3A_106 : vector<8x384xi1>, vector<8x384xf32>
    %add3A_108 = arith.addf %add3A_98, %select_n3A_107 : vector<8x384xf32>
    %eq3A_109 = arith.constant 8 : i32
    %eq3A_110 = vector.broadcast %eq3A_109 : i32 to vector<8x384xi32>
    %eq3A_111 = arith.cmpi eq, %select_n3A, %eq3A_110 : vector<8x384xi32>
    %get3A_112 = arith.constant 8 : index
    %get3A_113 = memref.load %arg0[%get3A_112] : memref<32xf32, #tpu.memory_space<smem>>
    %jit3A_114 = arith.constant 0.000000e+00 : f32
    %broadcast_in_dim3A_115 = vector.broadcast %get3A_113 : f32 to vector<8x384xf32>
    %broadcast_in_dim3A_116 = vector.broadcast %jit3A_114 : f32 to vector<8x384xf32>
    %select_n3A_117 = arith.select %eq3A_111, %broadcast_in_dim3A_115, %broadcast_in_dim3A_116 : vector<8x384xi1>, vector<8x384xf32>
    %add3A_118 = arith.addf %add3A_108, %select_n3A_117 : vector<8x384xf32>
    %eq3A_119 = arith.constant 9 : i32
    %eq3A_120 = vector.broadcast %eq3A_119 : i32 to vector<8x384xi32>
    %eq3A_121 = arith.cmpi eq, %select_n3A, %eq3A_120 : vector<8x384xi32>
    %get3A_122 = arith.constant 9 : index
    %get3A_123 = memref.load %arg0[%get3A_122] : memref<32xf32, #tpu.memory_space<smem>>
    %jit3A_124 = arith.constant 0.000000e+00 : f32
    %broadcast_in_dim3A_125 = vector.broadcast %get3A_123 : f32 to vector<8x384xf32>
    %broadcast_in_dim3A_126 = vector.broadcast %jit3A_124 : f32 to vector<8x384xf32>
    %select_n3A_127 = arith.select %eq3A_121, %broadcast_in_dim3A_125, %broadcast_in_dim3A_126 : vector<8x384xi1>, vector<8x384xf32>
    %add3A_128 = arith.addf %add3A_118, %select_n3A_127 : vector<8x384xf32>
    %eq3A_129 = arith.constant 10 : i32
    %eq3A_130 = vector.broadcast %eq3A_129 : i32 to vector<8x384xi32>
    %eq3A_131 = arith.cmpi eq, %select_n3A, %eq3A_130 : vector<8x384xi32>
    %get3A_132 = arith.constant 10 : index
    %get3A_133 = memref.load %arg0[%get3A_132] : memref<32xf32, #tpu.memory_space<smem>>
    %jit3A_134 = arith.constant 0.000000e+00 : f32
    %broadcast_in_dim3A_135 = vector.broadcast %get3A_133 : f32 to vector<8x384xf32>
    %broadcast_in_dim3A_136 = vector.broadcast %jit3A_134 : f32 to vector<8x384xf32>
    %select_n3A_137 = arith.select %eq3A_131, %broadcast_in_dim3A_135, %broadcast_in_dim3A_136 : vector<8x384xi1>, vector<8x384xf32>
    %add3A_138 = arith.addf %add3A_128, %select_n3A_137 : vector<8x384xf32>
    %eq3A_139 = arith.constant 11 : i32
    %eq3A_140 = vector.broadcast %eq3A_139 : i32 to vector<8x384xi32>
    %eq3A_141 = arith.cmpi eq, %select_n3A, %eq3A_140 : vector<8x384xi32>
    %get3A_142 = arith.constant 11 : index
    %get3A_143 = memref.load %arg0[%get3A_142] : memref<32xf32, #tpu.memory_space<smem>>
    %jit3A_144 = arith.constant 0.000000e+00 : f32
    %broadcast_in_dim3A_145 = vector.broadcast %get3A_143 : f32 to vector<8x384xf32>
    %broadcast_in_dim3A_146 = vector.broadcast %jit3A_144 : f32 to vector<8x384xf32>
    %select_n3A_147 = arith.select %eq3A_141, %broadcast_in_dim3A_145, %broadcast_in_dim3A_146 : vector<8x384xi1>, vector<8x384xf32>
    %add3A_148 = arith.addf %add3A_138, %select_n3A_147 : vector<8x384xf32>
    %eq3A_149 = arith.constant 12 : i32
    %eq3A_150 = vector.broadcast %eq3A_149 : i32 to vector<8x384xi32>
    %eq3A_151 = arith.cmpi eq, %select_n3A, %eq3A_150 : vector<8x384xi32>
    %get3A_152 = arith.constant 12 : index
    %get3A_153 = memref.load %arg0[%get3A_152] : memref<32xf32, #tpu.memory_space<smem>>
    %jit3A_154 = arith.constant 0.000000e+00 : f32
    %broadcast_in_dim3A_155 = vector.broadcast %get3A_153 : f32 to vector<8x384xf32>
    %broadcast_in_dim3A_156 = vector.broadcast %jit3A_154 : f32 to vector<8x384xf32>
    %select_n3A_157 = arith.select %eq3A_151, %broadcast_in_dim3A_155, %broadcast_in_dim3A_156 : vector<8x384xi1>, vector<8x384xf32>
    %add3A_158 = arith.addf %add3A_148, %select_n3A_157 : vector<8x384xf32>
    %eq3A_159 = arith.constant 13 : i32
    %eq3A_160 = vector.broadcast %eq3A_159 : i32 to vector<8x384xi32>
    %eq3A_161 = arith.cmpi eq, %select_n3A, %eq3A_160 : vector<8x384xi32>
    %get3A_162 = arith.constant 13 : index
    %get3A_163 = memref.load %arg0[%get3A_162] : memref<32xf32, #tpu.memory_space<smem>>
    %jit3A_164 = arith.constant 0.000000e+00 : f32
    %broadcast_in_dim3A_165 = vector.broadcast %get3A_163 : f32 to vector<8x384xf32>
    %broadcast_in_dim3A_166 = vector.broadcast %jit3A_164 : f32 to vector<8x384xf32>
    %select_n3A_167 = arith.select %eq3A_161, %broadcast_in_dim3A_165, %broadcast_in_dim3A_166 : vector<8x384xi1>, vector<8x384xf32>
    %add3A_168 = arith.addf %add3A_158, %select_n3A_167 : vector<8x384xf32>
    %eq3A_169 = arith.constant 14 : i32
    %eq3A_170 = vector.broadcast %eq3A_169 : i32 to vector<8x384xi32>
    %eq3A_171 = arith.cmpi eq, %select_n3A, %eq3A_170 : vector<8x384xi32>
    %get3A_172 = arith.constant 14 : index
    %get3A_173 = memref.load %arg0[%get3A_172] : memref<32xf32, #tpu.memory_space<smem>>
    %jit3A_174 = arith.constant 0.000000e+00 : f32
    %broadcast_in_dim3A_175 = vector.broadcast %get3A_173 : f32 to vector<8x384xf32>
    %broadcast_in_dim3A_176 = vector.broadcast %jit3A_174 : f32 to vector<8x384xf32>
    %select_n3A_177 = arith.select %eq3A_171, %broadcast_in_dim3A_175, %broadcast_in_dim3A_176 : vector<8x384xi1>, vector<8x384xf32>
    %add3A_178 = arith.addf %add3A_168, %select_n3A_177 : vector<8x384xf32>
    %eq3A_179 = arith.constant 15 : i32
    %eq3A_180 = vector.broadcast %eq3A_179 : i32 to vector<8x384xi32>
    %eq3A_181 = arith.cmpi eq, %select_n3A, %eq3A_180 : vector<8x384xi32>
    %get3A_182 = arith.constant 15 : index
    %get3A_183 = memref.load %arg0[%get3A_182] : memref<32xf32, #tpu.memory_space<smem>>
    %jit3A_184 = arith.constant 0.000000e+00 : f32
    %broadcast_in_dim3A_185 = vector.broadcast %get3A_183 : f32 to vector<8x384xf32>
    %broadcast_in_dim3A_186 = vector.broadcast %jit3A_184 : f32 to vector<8x384xf32>
    %select_n3A_187 = arith.select %eq3A_181, %broadcast_in_dim3A_185, %broadcast_in_dim3A_186 : vector<8x384xi1>, vector<8x384xf32>
    %add3A_188 = arith.addf %add3A_178, %select_n3A_187 : vector<8x384xf32>
    %eq3A_189 = arith.constant 16 : i32
    %eq3A_190 = vector.broadcast %eq3A_189 : i32 to vector<8x384xi32>
    %eq3A_191 = arith.cmpi eq, %select_n3A, %eq3A_190 : vector<8x384xi32>
    %get3A_192 = arith.constant 16 : index
    %get3A_193 = memref.load %arg0[%get3A_192] : memref<32xf32, #tpu.memory_space<smem>>
    %jit3A_194 = arith.constant 0.000000e+00 : f32
    %broadcast_in_dim3A_195 = vector.broadcast %get3A_193 : f32 to vector<8x384xf32>
    %broadcast_in_dim3A_196 = vector.broadcast %jit3A_194 : f32 to vector<8x384xf32>
    %select_n3A_197 = arith.select %eq3A_191, %broadcast_in_dim3A_195, %broadcast_in_dim3A_196 : vector<8x384xi1>, vector<8x384xf32>
    %add3A_198 = arith.addf %add3A_188, %select_n3A_197 : vector<8x384xf32>
    %eq3A_199 = arith.constant 17 : i32
    %eq3A_200 = vector.broadcast %eq3A_199 : i32 to vector<8x384xi32>
    %eq3A_201 = arith.cmpi eq, %select_n3A, %eq3A_200 : vector<8x384xi32>
    %get3A_202 = arith.constant 17 : index
    %get3A_203 = memref.load %arg0[%get3A_202] : memref<32xf32, #tpu.memory_space<smem>>
    %jit3A_204 = arith.constant 0.000000e+00 : f32
    %broadcast_in_dim3A_205 = vector.broadcast %get3A_203 : f32 to vector<8x384xf32>
    %broadcast_in_dim3A_206 = vector.broadcast %jit3A_204 : f32 to vector<8x384xf32>
    %select_n3A_207 = arith.select %eq3A_201, %broadcast_in_dim3A_205, %broadcast_in_dim3A_206 : vector<8x384xi1>, vector<8x384xf32>
    %add3A_208 = arith.addf %add3A_198, %select_n3A_207 : vector<8x384xf32>
    %eq3A_209 = arith.constant 18 : i32
    %eq3A_210 = vector.broadcast %eq3A_209 : i32 to vector<8x384xi32>
    %eq3A_211 = arith.cmpi eq, %select_n3A, %eq3A_210 : vector<8x384xi32>
    %get3A_212 = arith.constant 18 : index
    %get3A_213 = memref.load %arg0[%get3A_212] : memref<32xf32, #tpu.memory_space<smem>>
    %jit3A_214 = arith.constant 0.000000e+00 : f32
    %broadcast_in_dim3A_215 = vector.broadcast %get3A_213 : f32 to vector<8x384xf32>
    %broadcast_in_dim3A_216 = vector.broadcast %jit3A_214 : f32 to vector<8x384xf32>
    %select_n3A_217 = arith.select %eq3A_211, %broadcast_in_dim3A_215, %broadcast_in_dim3A_216 : vector<8x384xi1>, vector<8x384xf32>
    %add3A_218 = arith.addf %add3A_208, %select_n3A_217 : vector<8x384xf32>
    %eq3A_219 = arith.constant 19 : i32
    %eq3A_220 = vector.broadcast %eq3A_219 : i32 to vector<8x384xi32>
    %eq3A_221 = arith.cmpi eq, %select_n3A, %eq3A_220 : vector<8x384xi32>
    %get3A_222 = arith.constant 19 : index
    %get3A_223 = memref.load %arg0[%get3A_222] : memref<32xf32, #tpu.memory_space<smem>>
    %jit3A_224 = arith.constant 0.000000e+00 : f32
    %broadcast_in_dim3A_225 = vector.broadcast %get3A_223 : f32 to vector<8x384xf32>
    %broadcast_in_dim3A_226 = vector.broadcast %jit3A_224 : f32 to vector<8x384xf32>
    %select_n3A_227 = arith.select %eq3A_221, %broadcast_in_dim3A_225, %broadcast_in_dim3A_226 : vector<8x384xi1>, vector<8x384xf32>
    %add3A_228 = arith.addf %add3A_218, %select_n3A_227 : vector<8x384xf32>
    %eq3A_229 = arith.constant 20 : i32
    %eq3A_230 = vector.broadcast %eq3A_229 : i32 to vector<8x384xi32>
    %eq3A_231 = arith.cmpi eq, %select_n3A, %eq3A_230 : vector<8x384xi32>
    %get3A_232 = arith.constant 20 : index
    %get3A_233 = memref.load %arg0[%get3A_232] : memref<32xf32, #tpu.memory_space<smem>>
    %jit3A_234 = arith.constant 0.000000e+00 : f32
    %broadcast_in_dim3A_235 = vector.broadcast %get3A_233 : f32 to vector<8x384xf32>
    %broadcast_in_dim3A_236 = vector.broadcast %jit3A_234 : f32 to vector<8x384xf32>
    %select_n3A_237 = arith.select %eq3A_231, %broadcast_in_dim3A_235, %broadcast_in_dim3A_236 : vector<8x384xi1>, vector<8x384xf32>
    %add3A_238 = arith.addf %add3A_228, %select_n3A_237 : vector<8x384xf32>
    %eq3A_239 = arith.constant 21 : i32
    %eq3A_240 = vector.broadcast %eq3A_239 : i32 to vector<8x384xi32>
    %eq3A_241 = arith.cmpi eq, %select_n3A, %eq3A_240 : vector<8x384xi32>
    %get3A_242 = arith.constant 21 : index
    %get3A_243 = memref.load %arg0[%get3A_242] : memref<32xf32, #tpu.memory_space<smem>>
    %jit3A_244 = arith.constant 0.000000e+00 : f32
    %broadcast_in_dim3A_245 = vector.broadcast %get3A_243 : f32 to vector<8x384xf32>
    %broadcast_in_dim3A_246 = vector.broadcast %jit3A_244 : f32 to vector<8x384xf32>
    %select_n3A_247 = arith.select %eq3A_241, %broadcast_in_dim3A_245, %broadcast_in_dim3A_246 : vector<8x384xi1>, vector<8x384xf32>
    %add3A_248 = arith.addf %add3A_238, %select_n3A_247 : vector<8x384xf32>
    %eq3A_249 = arith.constant 22 : i32
    %eq3A_250 = vector.broadcast %eq3A_249 : i32 to vector<8x384xi32>
    %eq3A_251 = arith.cmpi eq, %select_n3A, %eq3A_250 : vector<8x384xi32>
    %get3A_252 = arith.constant 22 : index
    %get3A_253 = memref.load %arg0[%get3A_252] : memref<32xf32, #tpu.memory_space<smem>>
    %jit3A_254 = arith.constant 0.000000e+00 : f32
    %broadcast_in_dim3A_255 = vector.broadcast %get3A_253 : f32 to vector<8x384xf32>
    %broadcast_in_dim3A_256 = vector.broadcast %jit3A_254 : f32 to vector<8x384xf32>
    %select_n3A_257 = arith.select %eq3A_251, %broadcast_in_dim3A_255, %broadcast_in_dim3A_256 : vector<8x384xi1>, vector<8x384xf32>
    %add3A_258 = arith.addf %add3A_248, %select_n3A_257 : vector<8x384xf32>
    %eq3A_259 = arith.constant 23 : i32
    %eq3A_260 = vector.broadcast %eq3A_259 : i32 to vector<8x384xi32>
    %eq3A_261 = arith.cmpi eq, %select_n3A, %eq3A_260 : vector<8x384xi32>
    %get3A_262 = arith.constant 23 : index
    %get3A_263 = memref.load %arg0[%get3A_262] : memref<32xf32, #tpu.memory_space<smem>>
    %jit3A_264 = arith.constant 0.000000e+00 : f32
    %broadcast_in_dim3A_265 = vector.broadcast %get3A_263 : f32 to vector<8x384xf32>
    %broadcast_in_dim3A_266 = vector.broadcast %jit3A_264 : f32 to vector<8x384xf32>
    %select_n3A_267 = arith.select %eq3A_261, %broadcast_in_dim3A_265, %broadcast_in_dim3A_266 : vector<8x384xi1>, vector<8x384xf32>
    %add3A_268 = arith.addf %add3A_258, %select_n3A_267 : vector<8x384xf32>
    %eq3A_269 = arith.constant 24 : i32
    %eq3A_270 = vector.broadcast %eq3A_269 : i32 to vector<8x384xi32>
    %eq3A_271 = arith.cmpi eq, %select_n3A, %eq3A_270 : vector<8x384xi32>
    %get3A_272 = arith.constant 24 : index
    %get3A_273 = memref.load %arg0[%get3A_272] : memref<32xf32, #tpu.memory_space<smem>>
    %jit3A_274 = arith.constant 0.000000e+00 : f32
    %broadcast_in_dim3A_275 = vector.broadcast %get3A_273 : f32 to vector<8x384xf32>
    %broadcast_in_dim3A_276 = vector.broadcast %jit3A_274 : f32 to vector<8x384xf32>
    %select_n3A_277 = arith.select %eq3A_271, %broadcast_in_dim3A_275, %broadcast_in_dim3A_276 : vector<8x384xi1>, vector<8x384xf32>
    %add3A_278 = arith.addf %add3A_268, %select_n3A_277 : vector<8x384xf32>
    %eq3A_279 = arith.constant 25 : i32
    %eq3A_280 = vector.broadcast %eq3A_279 : i32 to vector<8x384xi32>
    %eq3A_281 = arith.cmpi eq, %select_n3A, %eq3A_280 : vector<8x384xi32>
    %get3A_282 = arith.constant 25 : index
    %get3A_283 = memref.load %arg0[%get3A_282] : memref<32xf32, #tpu.memory_space<smem>>
    %jit3A_284 = arith.constant 0.000000e+00 : f32
    %broadcast_in_dim3A_285 = vector.broadcast %get3A_283 : f32 to vector<8x384xf32>
    %broadcast_in_dim3A_286 = vector.broadcast %jit3A_284 : f32 to vector<8x384xf32>
    %select_n3A_287 = arith.select %eq3A_281, %broadcast_in_dim3A_285, %broadcast_in_dim3A_286 : vector<8x384xi1>, vector<8x384xf32>
    %add3A_288 = arith.addf %add3A_278, %select_n3A_287 : vector<8x384xf32>
    %eq3A_289 = arith.constant 26 : i32
    %eq3A_290 = vector.broadcast %eq3A_289 : i32 to vector<8x384xi32>
    %eq3A_291 = arith.cmpi eq, %select_n3A, %eq3A_290 : vector<8x384xi32>
    %get3A_292 = arith.constant 26 : index
    %get3A_293 = memref.load %arg0[%get3A_292] : memref<32xf32, #tpu.memory_space<smem>>
    %jit3A_294 = arith.constant 0.000000e+00 : f32
    %broadcast_in_dim3A_295 = vector.broadcast %get3A_293 : f32 to vector<8x384xf32>
    %broadcast_in_dim3A_296 = vector.broadcast %jit3A_294 : f32 to vector<8x384xf32>
    %select_n3A_297 = arith.select %eq3A_291, %broadcast_in_dim3A_295, %broadcast_in_dim3A_296 : vector<8x384xi1>, vector<8x384xf32>
    %add3A_298 = arith.addf %add3A_288, %select_n3A_297 : vector<8x384xf32>
    %eq3A_299 = arith.constant 27 : i32
    %eq3A_300 = vector.broadcast %eq3A_299 : i32 to vector<8x384xi32>
    %eq3A_301 = arith.cmpi eq, %select_n3A, %eq3A_300 : vector<8x384xi32>
    %get3A_302 = arith.constant 27 : index
    %get3A_303 = memref.load %arg0[%get3A_302] : memref<32xf32, #tpu.memory_space<smem>>
    %jit3A_304 = arith.constant 0.000000e+00 : f32
    %broadcast_in_dim3A_305 = vector.broadcast %get3A_303 : f32 to vector<8x384xf32>
    %broadcast_in_dim3A_306 = vector.broadcast %jit3A_304 : f32 to vector<8x384xf32>
    %select_n3A_307 = arith.select %eq3A_301, %broadcast_in_dim3A_305, %broadcast_in_dim3A_306 : vector<8x384xi1>, vector<8x384xf32>
    %add3A_308 = arith.addf %add3A_298, %select_n3A_307 : vector<8x384xf32>
    %eq3A_309 = arith.constant 28 : i32
    %eq3A_310 = vector.broadcast %eq3A_309 : i32 to vector<8x384xi32>
    %eq3A_311 = arith.cmpi eq, %select_n3A, %eq3A_310 : vector<8x384xi32>
    %get3A_312 = arith.constant 28 : index
    %get3A_313 = memref.load %arg0[%get3A_312] : memref<32xf32, #tpu.memory_space<smem>>
    %jit3A_314 = arith.constant 0.000000e+00 : f32
    %broadcast_in_dim3A_315 = vector.broadcast %get3A_313 : f32 to vector<8x384xf32>
    %broadcast_in_dim3A_316 = vector.broadcast %jit3A_314 : f32 to vector<8x384xf32>
    %select_n3A_317 = arith.select %eq3A_311, %broadcast_in_dim3A_315, %broadcast_in_dim3A_316 : vector<8x384xi1>, vector<8x384xf32>
    %add3A_318 = arith.addf %add3A_308, %select_n3A_317 : vector<8x384xf32>
    %eq3A_319 = arith.constant 29 : i32
    %eq3A_320 = vector.broadcast %eq3A_319 : i32 to vector<8x384xi32>
    %eq3A_321 = arith.cmpi eq, %select_n3A, %eq3A_320 : vector<8x384xi32>
    %get3A_322 = arith.constant 29 : index
    %get3A_323 = memref.load %arg0[%get3A_322] : memref<32xf32, #tpu.memory_space<smem>>
    %jit3A_324 = arith.constant 0.000000e+00 : f32
    %broadcast_in_dim3A_325 = vector.broadcast %get3A_323 : f32 to vector<8x384xf32>
    %broadcast_in_dim3A_326 = vector.broadcast %jit3A_324 : f32 to vector<8x384xf32>
    %select_n3A_327 = arith.select %eq3A_321, %broadcast_in_dim3A_325, %broadcast_in_dim3A_326 : vector<8x384xi1>, vector<8x384xf32>
    %add3A_328 = arith.addf %add3A_318, %select_n3A_327 : vector<8x384xf32>
    %eq3A_329 = arith.constant 30 : i32
    %eq3A_330 = vector.broadcast %eq3A_329 : i32 to vector<8x384xi32>
    %eq3A_331 = arith.cmpi eq, %select_n3A, %eq3A_330 : vector<8x384xi32>
    %get3A_332 = arith.constant 30 : index
    %get3A_333 = memref.load %arg0[%get3A_332] : memref<32xf32, #tpu.memory_space<smem>>
    %jit3A_334 = arith.constant 0.000000e+00 : f32
    %broadcast_in_dim3A_335 = vector.broadcast %get3A_333 : f32 to vector<8x384xf32>
    %broadcast_in_dim3A_336 = vector.broadcast %jit3A_334 : f32 to vector<8x384xf32>
    %select_n3A_337 = arith.select %eq3A_331, %broadcast_in_dim3A_335, %broadcast_in_dim3A_336 : vector<8x384xi1>, vector<8x384xf32>
    %add3A_338 = arith.addf %add3A_328, %select_n3A_337 : vector<8x384xf32>
    %eq3A_339 = arith.constant 31 : i32
    %eq3A_340 = vector.broadcast %eq3A_339 : i32 to vector<8x384xi32>
    %eq3A_341 = arith.cmpi eq, %select_n3A, %eq3A_340 : vector<8x384xi32>
    %get3A_342 = arith.constant 31 : index
    %get3A_343 = memref.load %arg0[%get3A_342] : memref<32xf32, #tpu.memory_space<smem>>
    %jit3A_344 = arith.constant 0.000000e+00 : f32
    %broadcast_in_dim3A_345 = vector.broadcast %get3A_343 : f32 to vector<8x384xf32>
    %broadcast_in_dim3A_346 = vector.broadcast %jit3A_344 : f32 to vector<8x384xf32>
    %select_n3A_347 = arith.select %eq3A_341, %broadcast_in_dim3A_345, %broadcast_in_dim3A_346 : vector<8x384xi1>, vector<8x384xf32>
    %add3A_348 = arith.addf %add3A_338, %select_n3A_347 : vector<8x384xf32>
    %get3A_349 = arith.constant 31 : index
    %get3A_350 = memref.load %arg0[%get3A_349] : memref<32xf32, #tpu.memory_space<smem>>
    %broadcast_in_dim3A_351 = vector.broadcast %get3A_350 : f32 to vector<8x3952xf32>
    %get3A_352 = arith.constant 31 : index
    %get3A_353 = memref.load %arg0[%get3A_352] : memref<32xf32, #tpu.memory_space<smem>>
    %broadcast_in_dim3A_354 = vector.broadcast %get3A_353 : f32 to vector<8x4112xf32>
    %concatenate3A = tpu.concatenate %broadcast_in_dim3A_351, %add3A_348, %broadcast_in_dim3A_354 in 1 : vector<8x3952xf32>, vector<8x384xf32>, vector<8x4112xf32> -> vector<8x8448xf32>
    %slice3A = vector.extract_strided_slice %concatenate3A {offsets = [0, 0], sizes = [8, 8192], strides = [1, 1]} : vector<8x8448xf32> to vector<8x8192xf32>
    %swap3A = arith.constant 0 : index
    %swap3A_355 = arith.constant 0 : index
    %swap3A_356 = vector.load %arg1[%swap3A, %swap3A_355] : memref<128x8192xf32, #tpu.memory_space<vmem>>, vector<8x8192xf32>
    tpu.vector_store %arg1[%swap3A, %swap3A_355], %slice3A {strides = array<i32>} : memref<128x8192xf32, #tpu.memory_space<vmem>>, vector<8x8192xf32>,
    %slice3A_357 = vector.extract_strided_slice %concatenate3A {offsets = [0, 8], sizes = [8, 8192], strides = [1, 1]} : vector<8x8448xf32> to vector<8x8192xf32>
    %swap3A_358 = arith.constant 8 : index
    %swap3A_359 = arith.constant 0 : index
    %swap3A_360 = vector.load %arg1[%swap3A_358, %swap3A_359] : memref<128x8192xf32, #tpu.memory_space<vmem>>, vector<8x8192xf32>
    tpu.vector_store %arg1[%swap3A_358, %swap3A_359], %slice3A_357 {strides = array<i32>} : memref<128x8192xf32, #tpu.memory_space<vmem>>, vector<8x8192xf32>,
    %slice3A_361 = vector.extract_strided_slice %concatenate3A {offsets = [0, 16], sizes = [8, 8192], strides = [1, 1]} : vector<8x8448xf32> to vector<8x8192xf32>
    %swap3A_362 = arith.constant 16 : index
    %swap3A_363 = arith.constant 0 : index
    %swap3A_364 = vector.load %arg1[%swap3A_362, %swap3A_363] : memref<128x8192xf32, #tpu.memory_space<vmem>>, vector<8x8192xf32>
    tpu.vector_store %arg1[%swap3A_362, %swap3A_363], %slice3A_361 {strides = array<i32>} : memref<128x8192xf32, #tpu.memory_space<vmem>>, vector<8x8192xf32>,
    %slice3A_365 = vector.extract_strided_slice %concatenate3A {offsets = [0, 24], sizes = [8, 8192], strides = [1, 1]} : vector<8x8448xf32> to vector<8x8192xf32>
    %swap3A_366 = arith.constant 24 : index
    %swap3A_367 = arith.constant 0 : index
    %swap3A_368 = vector.load %arg1[%swap3A_366, %swap3A_367] : memref<128x8192xf32, #tpu.memory_space<vmem>>, vector<8x8192xf32>
    tpu.vector_store %arg1[%swap3A_366, %swap3A_367], %slice3A_365 {strides = array<i32>} : memref<128x8192xf32, #tpu.memory_space<vmem>>, vector<8x8192xf32>,
    %slice3A_369 = vector.extract_strided_slice %concatenate3A {offsets = [0, 32], sizes = [8, 8192], strides = [1, 1]} : vector<8x8448xf32> to vector<8x8192xf32>
    %swap3A_370 = arith.constant 32 : index
    %swap3A_371 = arith.constant 0 : index
    %swap3A_372 = vector.load %arg1[%swap3A_370, %swap3A_371] : memref<128x8192xf32, #tpu.memory_space<vmem>>, vector<8x8192xf32>
    tpu.vector_store %arg1[%swap3A_370, %swap3A_371], %slice3A_369 {strides = array<i32>} : memref<128x8192xf32, #tpu.memory_space<vmem>>, vector<8x8192xf32>,
    %slice3A_373 = vector.extract_strided_slice %concatenate3A {offsets = [0, 40], sizes = [8, 8192], strides = [1, 1]} : vector<8x8448xf32> to vector<8x8192xf32>
    %swap3A_374 = arith.constant 40 : index
    %swap3A_375 = arith.constant 0 : index
    %swap3A_376 = vector.load %arg1[%swap3A_374, %swap3A_375] : memref<128x8192xf32, #tpu.memory_space<vmem>>, vector<8x8192xf32>
    tpu.vector_store %arg1[%swap3A_374, %swap3A_375], %slice3A_373 {strides = array<i32>} : memref<128x8192xf32, #tpu.memory_space<vmem>>, vector<8x8192xf32>,
    %slice3A_377 = vector.extract_strided_slice %concatenate3A {offsets = [0, 48], sizes = [8, 8192], strides = [1, 1]} : vector<8x8448xf32> to vector<8x8192xf32>
    %swap3A_378 = arith.constant 48 : index
    %swap3A_379 = arith.constant 0 : index
    %swap3A_380 = vector.load %arg1[%swap3A_378, %swap3A_379] : memref<128x8192xf32, #tpu.memory_space<vmem>>, vector<8x8192xf32>
    tpu.vector_store %arg1[%swap3A_378, %swap3A_379], %slice3A_377 {strides = array<i32>} : memref<128x8192xf32, #tpu.memory_space<vmem>>, vector<8x8192xf32>,
    %slice3A_381 = vector.extract_strided_slice %concatenate3A {offsets = [0, 56], sizes = [8, 8192], strides = [1, 1]} : vector<8x8448xf32> to vector<8x8192xf32>
    %swap3A_382 = arith.constant 56 : index
    %swap3A_383 = arith.constant 0 : index
    %swap3A_384 = vector.load %arg1[%swap3A_382, %swap3A_383] : memref<128x8192xf32, #tpu.memory_space<vmem>>, vector<8x8192xf32>
    tpu.vector_store %arg1[%swap3A_382, %swap3A_383], %slice3A_381 {strides = array<i32>} : memref<128x8192xf32, #tpu.memory_space<vmem>>, vector<8x8192xf32>,
    %slice3A_385 = vector.extract_strided_slice %concatenate3A {offsets = [0, 64], sizes = [8, 8192], strides = [1, 1]} : vector<8x8448xf32> to vector<8x8192xf32>
    %swap3A_386 = arith.constant 64 : index
    %swap3A_387 = arith.constant 0 : index
    %swap3A_388 = vector.load %arg1[%swap3A_386, %swap3A_387] : memref<128x8192xf32, #tpu.memory_space<vmem>>, vector<8x8192xf32>
    tpu.vector_store %arg1[%swap3A_386, %swap3A_387], %slice3A_385 {strides = array<i32>} : memref<128x8192xf32, #tpu.memory_space<vmem>>, vector<8x8192xf32>,
    %slice3A_389 = vector.extract_strided_slice %concatenate3A {offsets = [0, 72], sizes = [8, 8192], strides = [1, 1]} : vector<8x8448xf32> to vector<8x8192xf32>
    %swap3A_390 = arith.constant 72 : index
    %swap3A_391 = arith.constant 0 : index
    %swap3A_392 = vector.load %arg1[%swap3A_390, %swap3A_391] : memref<128x8192xf32, #tpu.memory_space<vmem>>, vector<8x8192xf32>
    tpu.vector_store %arg1[%swap3A_390, %swap3A_391], %slice3A_389 {strides = array<i32>} : memref<128x8192xf32, #tpu.memory_space<vmem>>, vector<8x8192xf32>,
    %slice3A_393 = vector.extract_strided_slice %concatenate3A {offsets = [0, 80], sizes = [8, 8192], strides = [1, 1]} : vector<8x8448xf32> to vector<8x8192xf32>
    %swap3A_394 = arith.constant 80 : index
    %swap3A_395 = arith.constant 0 : index
    %swap3A_396 = vector.load %arg1[%swap3A_394, %swap3A_395] : memref<128x8192xf32, #tpu.memory_space<vmem>>, vector<8x8192xf32>
    tpu.vector_store %arg1[%swap3A_394, %swap3A_395], %slice3A_393 {strides = array<i32>} : memref<128x8192xf32, #tpu.memory_space<vmem>>, vector<8x8192xf32>,
    %slice3A_397 = vector.extract_strided_slice %concatenate3A {offsets = [0, 88], sizes = [8, 8192], strides = [1, 1]} : vector<8x8448xf32> to vector<8x8192xf32>
    %swap3A_398 = arith.constant 88 : index
    %swap3A_399 = arith.constant 0 : index
    %swap3A_400 = vector.load %arg1[%swap3A_398, %swap3A_399] : memref<128x8192xf32, #tpu.memory_space<vmem>>, vector<8x8192xf32>
    tpu.vector_store %arg1[%swap3A_398, %swap3A_399], %slice3A_397 {strides = array<i32>} : memref<128x8192xf32, #tpu.memory_space<vmem>>, vector<8x8192xf32>,
    %slice3A_401 = vector.extract_strided_slice %concatenate3A {offsets = [0, 96], sizes = [8, 8192], strides = [1, 1]} : vector<8x8448xf32> to vector<8x8192xf32>
    %swap3A_402 = arith.constant 96 : index
    %swap3A_403 = arith.constant 0 : index
    %swap3A_404 = vector.load %arg1[%swap3A_402, %swap3A_403] : memref<128x8192xf32, #tpu.memory_space<vmem>>, vector<8x8192xf32>
    tpu.vector_store %arg1[%swap3A_402, %swap3A_403], %slice3A_401 {strides = array<i32>} : memref<128x8192xf32, #tpu.memory_space<vmem>>, vector<8x8192xf32>,
    %slice3A_405 = vector.extract_strided_slice %concatenate3A {offsets = [0, 104], sizes = [8, 8192], strides = [1, 1]} : vector<8x8448xf32> to vector<8x8192xf32>
    %swap3A_406 = arith.constant 104 : index
    %swap3A_407 = arith.constant 0 : index
    %swap3A_408 = vector.load %arg1[%swap3A_406, %swap3A_407] : memref<128x8192xf32, #tpu.memory_space<vmem>>, vector<8x8192xf32>
    tpu.vector_store %arg1[%swap3A_406, %swap3A_407], %slice3A_405 {strides = array<i32>} : memref<128x8192xf32, #tpu.memory_space<vmem>>, vector<8x8192xf32>,
    %slice3A_409 = vector.extract_strided_slice %concatenate3A {offsets = [0, 112], sizes = [8, 8192], strides = [1, 1]} : vector<8x8448xf32> to vector<8x8192xf32>
    %swap3A_410 = arith.constant 112 : index
    %swap3A_411 = arith.constant 0 : index
    %swap3A_412 = vector.load %arg1[%swap3A_410, %swap3A_411] : memref<128x8192xf32, #tpu.memory_space<vmem>>, vector<8x8192xf32>
    tpu.vector_store %arg1[%swap3A_410, %swap3A_411], %slice3A_409 {strides = array<i32>} : memref<128x8192xf32, #tpu.memory_space<vmem>>, vector<8x8192xf32>,
    %slice3A_413 = vector.extract_strided_slice %concatenate3A {offsets = [0, 120], sizes = [8, 8192], strides = [1, 1]} : vector<8x8448xf32> to vector<8x8192xf32>
    %swap3A_414 = arith.constant 120 : index
    %swap3A_415 = arith.constant 0 : index
    %swap3A_416 = vector.load %arg1[%swap3A_414, %swap3A_415] : memref<128x8192xf32, #tpu.memory_space<vmem>>, vector<8x8192xf32>
    tpu.vector_store %arg1[%swap3A_414, %swap3A_415], %slice3A_413 {strides = array<i32>} : memref<128x8192xf32, #tpu.memory_space<vmem>>, vector<8x8192xf32>,
    return
  }
}

</mosaic_0001>

<sc_bundles>
// kernel: _impl.4.cloned.1.call-start
scs
__scs_entry_jumppad:
0x0: {  	(pc) =	sbr.rel $0x88, $3  }
0x1: {  	(tag) =	ssettag $0x0;
	lr =	simm.s32 $0x1  }
0x2: {  	[smem:$0x3FA0] =	sst lr;
	_ =	strace $0xD0000000  }
0x3: {  	_ = 	snop  }
0x4: {  	_ = 	snop  }
0x5: {  	_ = 	snop  }
0x6: {  	_ = 	snop  }
0x7: {  	_ = 	snop  }
__scs_overlays_trampoline_lowered:
0x8: {  	[smem:$0x3FAF] =	sst s0  }
0x9: {  	[smem:$0x3FB0] =	sst s1  }
0xa: {  	[smem:$0x3FB1] =	sst s2  }
0xb: {  	[smem:$0x3FB2] =	sst s3  }
0xc: {  	[smem:$0x3FB3] =	sst s4  }
0xd: {  	[smem:$0x3FB4] =	sst s5  }
0xe: {  	[smem:$0x3FB5] =	sst s6  }
0xf: {  	[smem:$0x3FB6] =	sst s7  }
0x10: {  	[smem:$0x3FB7] =	sst s8  }
0x11: {  	[smem:$0x3FB8] =	sst s9;
	s0 =	simm.s32 @!p0 $0x0  }
0x12: {  	s1 =	sld [smem:$0x3F9E];
	s0 =	simm.s32 @p0 $0x1  }
0x13: {  	[smem:$0x3FB9] =	sst s0;
	s0 =	simm.s32 @!p1 $0x0  }
0x14: {  	s2 =	sld [smem:$0x3F9D];
	s0 =	simm.s32 @p1 $0x1  }
0x15: {  	[smem:$0x3FBA] =	sst s0;
	s0 =	simm.s32 @!p2 $0x0  }
0x16: {  	s3 =	sld [smem:$0x3FDB];
	s0 =	simm.s32 @p2 $0x1  }
0x17: {  	s4 =	simm.s32 $0x1BF5;
	[smem:$0x3FBC] =	sst s0  }
0x18: {  	s0 =	sld [smem:$0x3F9F];
	_ =	swait.ge [sflag:s4], $0x0  }
0x19: {  	s7 =	sld [smem:$0x3FA0]  }
0x1a: {  	s8 =	sadd.s32 $0xFFFFE003, lr  }
0x1b: {  	s9 =	sadd.s32 $0xFFFFFEF7, lr;
	s5 =	simm.s32 $0xFFFFFFFF;
	p2 =	slt.u32 s8, $0xFFFFF086  }
0x1c: {  	p1 =	slt.u32 s9, $0xF7A;
	s5 =	simm.s32 @!p2 $0x0  }
0x1d: {  	s5 =	simm.s32 @p1 $0x1;
	p0 =	seq.s32 s7, s2  }
0x1e: {  	s7 =	smul.u32 @!p0 $0xF7A, s2;
	p2 =	seq.s32 @!p0 s5, $0x0  }
0x1f: {  	s9 =	smul.u32 $0xF7A, s1;
	s8 =	simm.s32 @!p0 $0x1BF5;
	p2 =	por !p2, p0  }
0x20: {  	[sflag:s8] =	ssyncset.s32 @!p0 $0xFFFFF086;
	s6 =	sadd.s32 @!p0 s3, s7;
	s7 =	simm.s32 @!p0 $0x108  }
0x21: {  	s3 =	sadd.s32 s3, s9;
	s6 =	sadd.s32 @!p0 $0x88, s6;
	s7 =	simm.s32 @p2 $0x1082  }
0x22: {  	[simem:s7], [sflag:s8] =	dma.local @!p0 [hbm:s6], $0xF7A  }
0x23: {  	s9 =	sor.u32 $0xD0000000, s2;
	s6 =	simm.s32 $0x108;
	_ =	swait.ge @!p0 [sflag:s8], $0x0  }
0x24: {  	s3 =	sadd.s32 $0x88, s3;
	s6 =	simm.s32 @!p1 $0x1082;
	[sflag:s4] =	ssyncset.s32 $0xFFFFF086  }
0x25: {  	[simem:s6], [sflag:s4] =	dma.local [hbm:s3], $0xF7A  }
0x26: {  	[smem:$0x3FA0] =	sst s1;
	(tag) =	ssettag s2;
	_ =	strace s9  }
0x27: {  	s1 =	sld [smem:$0x3FB0]  }
0x28: {  	s2 =	sld [smem:$0x3FB1]  }
0x29: {  	s4 =	sld [smem:$0x3FB3]  }
0x2a: {  	p0 =	seq.s32 s5, $0x0;
	s5 =	sld [smem:$0x3FB4]  }
0x2b: {  	s6 =	sld [smem:$0x3FB5]  }
0x2c: {  	s7 =	sld [smem:$0x3FB6]  }
0x2d: {  	s3 =	simm.s32 $0x108;
	s8 =	sld [smem:$0x3FB7]  }
0x2e: {  	s3 =	simm.s32 @!p0 $0x1082;
	s9 =	sld [smem:$0x3FB8]  }
0x2f: {  	lr =	sadd.s32 s0, s3;
	s0 =	sld [smem:$0x3FAF]  }
0x30: {  	s3 =	sld [smem:$0x3FB2]  }
0x31: {  	[smem:$0x3FBB] =	sst s10  }
0x32: {  	s10 =	sld [smem:$0x3FB9];
	_ =	sdelay $0x3  }
0x33: {  	p0 =	seq.s32 s10, $0x1;
	s10 =	sld [smem:$0x3FBB];
	_ =	sdelay $0x3  }
0x34: {  	[smem:$0x3FBB] =	sst s10  }
0x35: {  	s10 =	sld [smem:$0x3FBA];
	_ =	sdelay $0x3  }
0x36: {  	p1 =	seq.s32 s10, $0x1;
	s10 =	sld [smem:$0x3FBB];
	_ =	sdelay $0x3  }
0x37: {  	[smem:$0x3FBB] =	sst s10  }
0x38: {  	s10 =	sld [smem:$0x3FBC]  }
0x39: {  	_ = 	snop;
	(pc) =	sbr.ind lr, $3  }
0x3a: {  	_ = 	snop  }
0x3b: {  	_ = 	snop  }
0x3c: {  	p2 =	seq.s32 s10, $0x1;
	s10 =	sld [smem:$0x3FBB]  }
0x3d: {  	_ =	shalt  }
0x3e: {  	_ =	shalt  }
0x3f: {  	_ =	shalt  }
0x40: {  	_ =	shalt  }
0x41: {  	_ =	shalt  }
0x42: {  	_ =	shalt  }
0x43: {  	_ =	shalt  }
0x44: {  	_ =	shalt  }
0x45: {  	_ =	shalt  }
0x46: {  	_ =	shalt  }
0x47: {  	_ =	shalt  }
0x48: {  	_ =	shalt  }
0x49: {  	_ =	shalt  }
0x4a: {  	_ =	shalt  }
0x4b: {  	_ =	shalt  }
0x4c: {  	_ =	shalt  }
0x4d: {  	_ =	shalt  }
0x4e: {  	_ =	shalt  }
0x4f: {  	_ =	shalt  }
0x50: {  	_ =	shalt  }
0x51: {  	_ =	shalt  }
0x52: {  	_ =	shalt  }
0x53: {  	_ =	shalt  }
0x54: {  	_ =	shalt  }
0x55: {  	_ =	shalt  }
0x56: {  	_ =	shalt  }
0x57: {  	_ =	shalt  }
0x58: {  	_ =	shalt  }
0x59: {  	_ =	shalt  }
0x5a: {  	_ =	shalt  }
0x5b: {  	_ =	shalt  }
0x5c: {  	_ =	shalt  }
0x5d: {  	_ =	shalt  }
0x5e: {  	_ =	shalt  }
0x5f: {  	_ =	shalt  }
0x60: {  	_ =	shalt  }
0x61: {  	_ =	shalt  }
0x62: {  	_ =	shalt  }
0x63: {  	_ =	shalt  }
0x64: {  	_ =	shalt  }
0x65: {  	_ =	shalt  }
0x66: {  	_ =	shalt  }
0x67: {  	_ =	shalt  }
0x68: {  	_ =	shalt  }
0x69: {  	_ =	shalt  }
0x6a: {  	_ =	shalt  }
0x6b: {  	_ =	shalt  }
0x6c: {  	_ =	shalt  }
0x6d: {  	_ =	shalt  }
0x6e: {  	_ =	shalt  }
0x6f: {  	_ =	shalt  }
0x70: {  	_ =	shalt  }
0x71: {  	_ =	shalt  }
0x72: {  	_ =	shalt  }
0x73: {  	_ =	shalt  }
0x74: {  	_ =	shalt  }
0x75: {  	_ =	shalt  }
0x76: {  	_ =	shalt  }
0x77: {  	_ =	shalt  }
0x78: {  	_ =	shalt  }
0x79: {  	_ =	shalt  }
0x7a: {  	_ =	shalt  }
0x7b: {  	_ =	shalt  }
0x7c: {  	_ =	shalt  }
0x7d: {  	_ =	shalt  }
0x7e: {  	_ =	shalt  }
0x7f: {  	_ =	shalt  }
0x80: {  	_ =	shalt  }
0x81: {  	_ =	shalt  }
0x82: {  	_ =	shalt  }
0x83: {  	_ =	shalt  }
0x84: {  	_ =	shalt  }
0x85: {  	_ =	shalt  }
0x86: {  	_ =	shalt  }
0x87: {  	_ =	shalt  }
.Lfunc_end0:
.L_simem_size_0:
called_computation_lowered:
.L_overlay_start_0:
0x88: {  	s2 =	sld [smem:$0x3FD9]  }
0x89: {  	s3 =	sld [smem:$0x3FFE];
	_ =	sdelay $0x1  }
0x8a: {  	s1 =	srdreg.scid  }
0x8b: {  	s0 =	sand.u32 $0x1, s1  }
0x8c: {  	s17 =	sshll.u32 s0, $0xA;
	s2 =	sadd.s32 s3, s2  }
0x8d: {  	s2 =	sadd.s32 s2, s17  }
0x8e: {  	[smem:$0x3FC7] =	sst s2  }
0x8f: {  	_ = 	snop  }
0x90: {  	s2 =	sld [smem:$0x3FD0];
	(tm) =	ssettm $0x1  }
0x91: {  	s18 =	sld [smem:$0x3FFB];
	_ =	sdelay $0x3  }
0x92: {  	_ =	strace s18  }
0x93: {  	s3 =	sld [smem:$0x3FFC];
	_ =	sdelay $0x3  }
0x94: {  	_ =	strace s3  }
0x95: {  	s3 =	sld [smem:$0x3FFD];
	_ =	sdelay $0x3  }
0x96: {  	_ =	strace s3  }
0x97: {  	_ =	strace $0x8FFFFFFF  }
0x98: {  	s19 =	sld [smem:$0x3FDB];
	_ =	sdelay $0x1  }
0x99: {  	s4 =	simm.s32 $_scs_section_size  }
0x9a: {  	s5 =	simm.s32 $_size__tile_overlayer_lowered;
	s6 =	simm.s32 $_tile_overlayer_lowered  }
0x9b: {  	s22 =	simm.s32 $0x1BFF;
	s21 =	sshll.u32 s6, $0x1;
	s3 =	sadd.s32 s4, s19  }
0x9c: {  	s7 =	simm.s32 $0x0;
	s20 =	sshll.u32 s5, $0x1;
	s5 =	sadd.s32 s21, s3  }
0x9d: {  	[timem:s7], [sflag:s22] =	dma.local [hbm:s5], s20  }
0x9e: {  	_ =	swait.ge [sflag:s22], s20  }
0x9f: {  	s4 =	ssub.s32 $0x0, s20;
	[sflag:s22] =	ssyncset.done $0x0  }
0xa0: {  	[sflag:s22] =	ssyncadd.s32 s4;
	_ =	sdelay $0x1  }
0xa1: {  	s23 =	simm.s32 $0x1B8B  }
0xa2: {  	_ =	swait.ge [sflag:s23], $0x1  }
0xa3: {  	[sflag:s23] =	ssyncset.done $0x0  }
0xa4: {  	s25 =	simm.s32 $0x1B8E;
	s24 =	sld [smem:$0x3FFE];
	[sflag:s23] =	ssyncadd.s32 $0xFFFFFFFF  }
0xa5: {  	s26 =	simm.s32 $execute0_lowered;
	[smem:$0x3FD2] =	sst s25  }
0xa6: {  	s5 =	sshll.u32 s26, $0x1;
	_ =	strace $0x80000046;
	[dreg:$0x1] =	wrdreg $0xFFFFFFFF  }
0xa7: {  	s28 =	simm.s32 $_size_execute0_lowered;
	s3 =	sadd.s32 s3, s5;
	[dreg:$0x0] =	wrdreg $0x0  }
0xa8: {  	s5 =	sshll.u32 s28, $0x1;
	[dreg:$0x2] =	wrdreg s3  }
0xa9: {  	[dreg:$0x3] =	wrdreg s5  }
0xaa: {  	[dreg:$0x4] =	wrdreg $0xC0  }
0xab: {  	_ =	task [dreg:s7], $0x5FFFF  }
0xac: {  	[dreg:$0x1] =	wrdreg $0xFFFFFFFF  }
0xad: {  	[dreg:$0x0] =	wrdreg $0x60  }
0xae: {  	[dreg:$0x2] =	wrdreg s24  }
0xaf: {  	[dreg:$0x3] =	wrdreg s2  }
0xb0: {  	[dreg:$0x4] =	wrdreg $0x9  }
0xb1: {  	_ =	task.clear_ibuf [dreg:s7], $0x5FFFF;
	_ =	strace $0x90000046  }
0xb2: {  	s29 =	simm.s32 $0x9;
	_ =	strace $0x80000048  }
0xb3: {  	_ =	swait.ge [sflag:s29], $0x1  }
0xb4: {  	[sflag:s29] =	ssyncadd.s32 $0xFFFFFFFF  }
0xb5: {  	_ =	strace $0x90000048  }
0xb6: {  	_ =	sfence  }
0xb7: {  	s30 =	sld [smem:$0x0];
	_ =	sdelay $0x2  }
0xb8: {  	s31 =	sshll.u32 s1, $0xD;
	s1 =	sshrl.u32 s1, $0x2  }
0xb9: {  	s3 =	sand.u32 $0x4000, s31;
	s1 =	sadd.s32 s1, s30  }
0xba: {  	s0 =	sor.u32 s3, s0;
	s1 =	sshll.u32 s1, $0x11  }
0xbb: {  	s0 =	sor.u32 s1, s0  }
0xbc: {  	s0 =	sadd.s32 $0x8F2B, s0  }
0xbd: {  	[sflag:s0] =	ssyncadd.remote.s32 $0x1  }
0xbe: {  	_ =	sfence.sel $0xFFFF  }
0xbf: {  	[dreg:$0x0] =	wrdreg $0xFFFFFFFF;
	(pc) =	sbr.abs _section_cstart, $3  }
0xc0: {  	[dreg:$0x1] =	wrdreg $0xFFFFFFFF  }
0xc1: {  	_ =	task.clear_ibuf [dreg:s7], $0x2FFFF;
	_ =	strace $0x9FFFFFFF  }
0xc2: {  	(tm) =	ssettm $0x7FFFFFFF  }
0xc3: {  	_ =	shalt  }
tec
execute0_lowered:
.L_overlay_start_1:
0x0: {  	(tag) =	ssettag $0x1  }
0x1: {  	s3 =	rddreg [dreg:$0x0];
	s0 =	srdreg.scid  }
0x2: {  	s26 =	rddreg [dreg:$0x1];
	s1 =	stileid.u32;
	s0 =	sand.u32 $0x1, s0  }
0x3: {  	s2 =	simm.s32 $0x0;
	s4 =	sshll.u32 s1, $0xD;
	s28 =	sshll.u32 s0, $0xE  }
0x4: {  	[smem:$0x7FF] =	sst s2;
	s3 =	sadd.s32 s4, s3;
	s8 =	sxor.u32 $0x4000, s28  }
0x5: {  	_ =	strace $0x80000047;
	s10 =	sxor.u32 $0x4400, s28;
	[dreg:$0x6] =	wrdreg s8  }
0x6: {  	s24 =	sshll.u32 s0, $0xB;
	s12 =	sxor.u32 $0x4800, s28;
	[dreg:$0x8] =	wrdreg s10  }
0x7: {  	s4 =	sxor.u32 $0x800, s24;
	s15 =	sxor.u32 $0x4C00, s28;
	[dreg:$0xa] =	wrdreg s12  }
0x8: {  	s5 =	sadd.s32 $0x800, s3;
	s25 =	sxor.u32 $0xC000, s28;
	[dreg:$0xc] =	wrdreg s15  }
0x9: {  	s6 =	sshll.u32 s1, $0xC;
	s3 =	sadd.s32 s4, s5;
	[dreg:$0xd] =	wrdreg s25  }
0xa: {  	s4 =	sshll.u32 s4, $0x3;
	s7 =	sshrl.u32 s25, $0x3;
	[dreg:$0x3] =	wrdreg s3  }
0xb: {  	s30 =	sxor.u32 $0xF000, s6;
	[dreg:$0x4] =	wrdreg s4;
	s6 =	sadd.s32 s7, s5  }
0xc: {  	s29 =	sshll.u32 s0, $0x14;
	[dreg:$0x5] =	wrdreg s6  }
0xd: {  	s7 =	sor.u32 s30, s29;
	s13 =	rddreg [dreg:$0x4]  }
0xe: {  	s31 =	sadd.s32 s7, s26;
	s14 =	rddreg [dreg:$0x3]  }
0xf: {  	s9 =	sadd.s32 $0xF0000, s31;
	s16 =	rddreg [dreg:$0x5]  }
0x10: {  	[tilespmem:s13], [sflag:$0x1] =	stream.linear.gather [hbm4b:s14+s2], $0x8000, $0x38;
	[tilespmem:$0x10000] =	vst v63  }
0x11: {  	s11 =	sadd.s32 $0xE0000, s31;
	[dreg:$0x7] =	wrdreg s9  }
0x12: {  	s5 =	sadd.s32 $0xD0000, s31;
	[dreg:$0x9] =	wrdreg s11  }
0x13: {  	s4 =	simm.s32 $0x1;
	[dreg:$0xb] =	wrdreg s5  }
0x14: {  	[tilespmem:s25], [sflag:$0x1] =	stream.linear.gather [hbm4b:s16+s2], $0x4000, $0x38;
	[tilespmem:$0x10000] =	vst v63  }
0x15: {  	_ =	swait.ge [sflag:s4], $0x8000  }
0x16: {  	s17 =	rddreg [dreg:$0x6];
	[sflag:s4] =	ssyncset.done $0x0  }
0x17: {  	s18 =	rddreg [dreg:$0x7];
	[sflag:s4] =	ssyncadd.s32 $0xFFFF8000  }
0x18: {  	[hbm4b:s18+s2] =	stream.linear.scatter [tilespmem:s17], [sflag:$0x2], $0x8000, $0x38;
	[tilespmem:$0x10000] =	vst v63  }
0x19: {  	_ =	swait.ge [sflag:s4], $0x4000  }
0x1a: {  	s19 =	rddreg [dreg:$0x8]  }
0x1b: {  	s20 =	rddreg [dreg:$0x9];
	[sflag:s4] =	ssyncset.done $0x0  }
0x1c: {  	s21 =	rddreg [dreg:$0xb];
	[sflag:s4] =	ssyncadd.s32 $0xFFFFC000  }
0x1d: {  	[hbm4b:s20+s2] =	stream.linear.scatter [tilespmem:s19], [sflag:$0x2], $0x8000, $0x38;
	[tilespmem:$0x10000] =	vst v63  }
0x1e: {  	s8 =	rddreg [dreg:$0xa]  }
0x1f: {  	[hbm4b:s21+s2] =	stream.linear.scatter [tilespmem:s8], [sflag:$0x2], $0x8000, $0x38;
	[tilespmem:$0x10000] =	vst v63  }
0x20: {  	s23 =	sadd.s32 $0xC0000, s31;
	s22 =	rddreg [dreg:$0xc]  }
0x21: {  	[hbm4b:s23+s2] =	stream.linear.scatter [tilespmem:s22], [sflag:$0x2], $0x8000, $0x38;
	[tilespmem:$0x10000] =	vst v63  }
0x22: {  	s24 =	sxor.u32 $0x5000, s28;
	s25 =	sadd.s32 $0xB0000, s31  }
0x23: {  	[hbm4b:s25+s2] =	stream.linear.scatter [tilespmem:s24], [sflag:$0x2], $0x8000, $0x38;
	[tilespmem:$0x10000] =	vst v63  }
0x24: {  	s3 =	sadd.s32 $0xA0000, s31;
	s5 =	sxor.u32 $0x5400, s28  }
0x25: {  	[hbm4b:s3+s2] =	stream.linear.scatter [tilespmem:s5], [sflag:$0x2], $0x8000, $0x38;
	[tilespmem:$0x10000] =	vst v63  }
0x26: {  	s10 =	sxor.u32 $0x5800, s28;
	s11 =	sadd.s32 $0x90000, s31  }
0x27: {  	[hbm4b:s11+s2] =	stream.linear.scatter [tilespmem:s10], [sflag:$0x2], $0x8000, $0x38;
	[tilespmem:$0x10000] =	vst v63  }
0x28: {  	s12 =	sxor.u32 $0x5C00, s28;
	s13 =	sadd.s32 $0x80000, s31  }
0x29: {  	[hbm4b:s13+s2] =	stream.linear.scatter [tilespmem:s12], [sflag:$0x2], $0x8000, $0x38;
	[tilespmem:$0x10000] =	vst v63  }
0x2a: {  	s14 =	sxor.u32 $0x6000, s28;
	s15 =	sadd.s32 $0x70000, s31  }
0x2b: {  	[hbm4b:s15+s2] =	stream.linear.scatter [tilespmem:s14], [sflag:$0x2], $0x8000, $0x38;
	[tilespmem:$0x10000] =	vst v63  }
0x2c: {  	s16 =	sxor.u32 $0x6400, s28;
	s17 =	sadd.s32 $0x60000, s31  }
0x2d: {  	[hbm4b:s17+s2] =	stream.linear.scatter [tilespmem:s16], [sflag:$0x2], $0x8000, $0x38;
	[tilespmem:$0x10000] =	vst v63  }
0x2e: {  	s18 =	sxor.u32 $0x6800, s28;
	s19 =	sadd.s32 $0x50000, s31  }
0x2f: {  	[hbm4b:s19+s2] =	stream.linear.scatter [tilespmem:s18], [sflag:$0x2], $0x8000, $0x38;
	[tilespmem:$0x10000] =	vst v63  }
0x30: {  	[dreg:$0xe] =	wrdreg s23;
	s20 =	sxor.u32 $0x6C00, s28;
	s21 =	sadd.s32 $0x40000, s31  }
0x31: {  	[hbm4b:s21+s2] =	stream.linear.scatter [tilespmem:s20], [sflag:$0x2], $0x8000, $0x38;
	[tilespmem:$0x10000] =	vst v63  }
0x32: {  	[dreg:$0xf] =	wrdreg s24;
	s22 =	sxor.u32 $0x7000, s28;
	s23 =	sadd.s32 $0x30000, s31  }
0x33: {  	[hbm4b:s23+s2] =	stream.linear.scatter [tilespmem:s22], [sflag:$0x2], $0x8000, $0x38;
	[tilespmem:$0x10000] =	vst v63  }
0x34: {  	s8 =	smov.u32 s25;
	s24 =	sxor.u32 $0x7400, s28;
	s25 =	sadd.s32 $0x20000, s31  }
0x35: {  	[hbm4b:s25+s2] =	stream.linear.scatter [tilespmem:s24], [sflag:$0x2], $0x8000, $0x38;
	[tilespmem:$0x10000] =	vst v63  }
0x36: {  	s6 =	sadd.s32 s26, s29;
	s29 =	sxor.u32 $0x7800, s28;
	s26 =	sadd.s32 $0x10000, s31  }
0x37: {  	[hbm4b:s26+s2] =	stream.linear.scatter [tilespmem:s29], [sflag:$0x2], $0x8000, $0x38;
	[tilespmem:$0x10000] =	vst v63  }
0x38: {  	s30 =	sadd.s32 s30, s6;
	s31 =	sxor.u32 $0x7C00, s28;
	s28 =	simm.s32 $0x2  }
0x39: {  	[hbm4b:s30+s2] =	stream.linear.scatter [tilespmem:s31], [sflag:$0x2], $0x8000, $0x38;
	[tilespmem:$0x10000] =	vst v63  }
0x3a: {  	_ =	swait.ge [sflag:s28], $0x8000  }
0x3b: {  	[sflag:s28] =	ssyncset.done $0x0  }
0x3c: {  	[sflag:s28] =	ssyncadd.s32 $0xFFFF8000  }
0x3d: {  	_ =	swait.ge [sflag:s28], $0x8000  }
0x3e: {  	[sflag:s28] =	ssyncset.done $0x0  }
0x3f: {  	[sflag:s28] =	ssyncadd.s32 $0xFFFF8000  }
0x40: {  	_ =	swait.ge [sflag:s28], $0x8000  }
0x41: {  	[sflag:s28] =	ssyncset.done $0x0  }
0x42: {  	[sflag:s28] =	ssyncadd.s32 $0xFFFF8000  }
0x43: {  	_ =	swait.ge [sflag:s28], $0x8000  }
0x44: {  	[sflag:s28] =	ssyncset.done $0x0  }
0x45: {  	[sflag:s28] =	ssyncadd.s32 $0xFFFF8000  }
0x46: {  	_ =	swait.ge [sflag:s28], $0x8000  }
0x47: {  	[sflag:s28] =	ssyncset.done $0x0  }
0x48: {  	[sflag:s28] =	ssyncadd.s32 $0xFFFF8000  }
0x49: {  	_ =	swait.ge [sflag:s28], $0x8000  }
0x4a: {  	[sflag:s28] =	ssyncset.done $0x0  }
0x4b: {  	[sflag:s28] =	ssyncadd.s32 $0xFFFF8000  }
0x4c: {  	_ =	swait.ge [sflag:s28], $0x8000  }
0x4d: {  	[sflag:s28] =	ssyncset.done $0x0  }
0x4e: {  	[sflag:s28] =	ssyncadd.s32 $0xFFFF8000  }
0x4f: {  	_ =	swait.ge [sflag:s28], $0x8000  }
0x50: {  	[sflag:s28] =	ssyncset.done $0x0  }
0x51: {  	[sflag:s28] =	ssyncadd.s32 $0xFFFF8000  }
0x52: {  	_ =	swait.ge [sflag:s28], $0x8000  }
0x53: {  	[sflag:s28] =	ssyncset.done $0x0  }
0x54: {  	[sflag:s28] =	ssyncadd.s32 $0xFFFF8000  }
0x55: {  	_ =	swait.ge [sflag:s28], $0x8000  }
0x56: {  	[sflag:s28] =	ssyncset.done $0x0  }
0x57: {  	[sflag:s28] =	ssyncadd.s32 $0xFFFF8000  }
0x58: {  	_ =	swait.ge [sflag:s28], $0x8000  }
0x59: {  	[sflag:s28] =	ssyncset.done $0x0  }
0x5a: {  	[sflag:s28] =	ssyncadd.s32 $0xFFFF8000  }
0x5b: {  	s0 =	ssub.s32 $0x2, s0;
	_ =	swait.ge [sflag:s28], $0x8000  }
0x5c: {  	s7 =	sshrl.u32 s0, $0x1;
	[sflag:s28] =	ssyncset.done $0x0  }
0x5d: {  	s0 =	ssub.s32 s0, s7;
	[sflag:s28] =	ssyncadd.s32 $0xFFFF8000  }
0x5e: {  	s0 =	smax.u32 s0, $0x1;
	_ =	swait.ge [sflag:s28], $0x8000  }
0x5f: {  	p0 =	sne.s32 s0, $0x1;
	[sflag:s28] =	ssyncset.done $0x0  }
.Ltmp0:
0x60: {  	[sflag:s28] =	ssyncadd.s32 $0xFFFF8000;
	(pc) =	sbr.rel @!p0 .LBB2_3-.Ltmp0, $4  }
0x61: {  	_ =	swait.ge [sflag:s28], $0x8000  }
0x62: {  	[sflag:s28] =	ssyncset.done $0x0  }
0x63: {  	[sflag:s28] =	ssyncadd.s32 $0xFFFF8000  }
0x64: {  	s9 =	smov.u32 s5;
	s0 =	sadd.s32 $0xFFFFFFFF, s0;
	_ =	swait.ge [sflag:s28], $0x8000  }
0x65: {  	s7 =	smov.u32 s3  }
.LBB2_2:
0x66: {  	[sflag:s28] =	ssyncset.done $0x0  }
0x67: {  	[sflag:s28] =	ssyncadd.s32 $0xFFFF8000  }
0x68: {  	_ =	swait.ge [sflag:s28], $0x8000  }
0x69: {  	s1 =	rddreg [dreg:$0x4]  }
0x6a: {  	[sflag:s28] =	ssyncset.done $0x0;
	s3 =	rddreg [dreg:$0x3]  }
0x6b: {  	s5 =	rddreg [dreg:$0x5];
	[sflag:s28] =	ssyncadd.s32 $0xFFFF8000  }
0x6c: {  	[tilespmem:s1], [sflag:$0x1] =	stream.linear.gather [hbm4b:s3+s2], $0x8000, $0x38;
	[tilespmem:$0x10000] =	vst v63  }
0x6d: {  	s3 =	rddreg [dreg:$0xd]  }
0x6e: {  	[tilespmem:s3], [sflag:$0x1] =	stream.linear.gather [hbm4b:s5+s2], $0x4000, $0x38;
	[tilespmem:$0x10000] =	vst v63  }
0x6f: {  	_ =	swait.ge [sflag:s4], $0x8000  }
0x70: {  	s5 =	rddreg [dreg:$0x6];
	[sflag:s4] =	ssyncset.done $0x0  }
0x71: {  	s6 =	rddreg [dreg:$0x7];
	[sflag:s4] =	ssyncadd.s32 $0xFFFF8000  }
0x72: {  	[hbm4b:s6+s2] =	stream.linear.scatter [tilespmem:s5], [sflag:$0x2], $0x8000, $0x38;
	[tilespmem:$0x10000] =	vst v63  }
0x73: {  	_ =	swait.ge [sflag:s4], $0x4000  }
0x74: {  	s1 =	rddreg [dreg:$0x8]  }
0x75: {  	s3 =	rddreg [dreg:$0x9]  }
0x76: {  	[sflag:s4] =	ssyncset.done $0x0;
	s5 =	rddreg [dreg:$0xb]  }
0x77: {  	s6 =	rddreg [dreg:$0xa];
	[sflag:s4] =	ssyncadd.s32 $0xFFFFC000  }
0x78: {  	[hbm4b:s3+s2] =	stream.linear.scatter [tilespmem:s1], [sflag:$0x2], $0x8000, $0x38;
	[tilespmem:$0x10000] =	vst v63  }
0x79: {  	s3 =	rddreg [dreg:$0xc]  }
0x7a: {  	[hbm4b:s5+s2] =	stream.linear.scatter [tilespmem:s6], [sflag:$0x2], $0x8000, $0x38;
	[tilespmem:$0x10000] =	vst v63  }
0x7b: {  	s5 =	rddreg [dreg:$0xe]  }
0x7c: {  	[hbm4b:s5+s2] =	stream.linear.scatter [tilespmem:s3], [sflag:$0x2], $0x8000, $0x38;
	[tilespmem:$0x10000] =	vst v63  }
0x7d: {  	s6 =	rddreg [dreg:$0xf]  }
0x7e: {  	[hbm4b:s8+s2] =	stream.linear.scatter [tilespmem:s6], [sflag:$0x2], $0x8000, $0x38;
	[tilespmem:$0x10000] =	vst v63  }
0x7f: {  	_ = 	snop  }
0x80: {  	[hbm4b:s7+s2] =	stream.linear.scatter [tilespmem:s9], [sflag:$0x2], $0x8000, $0x38;
	[tilespmem:$0x10000] =	vst v63  }
0x81: {  	_ = 	snop  }
0x82: {  	[hbm4b:s11+s2] =	stream.linear.scatter [tilespmem:s10], [sflag:$0x2], $0x8000, $0x38;
	[tilespmem:$0x10000] =	vst v63  }
0x83: {  	_ = 	snop  }
0x84: {  	[hbm4b:s13+s2] =	stream.linear.scatter [tilespmem:s12], [sflag:$0x2], $0x8000, $0x38;
	[tilespmem:$0x10000] =	vst v63  }
0x85: {  	_ = 	snop  }
0x86: {  	[hbm4b:s15+s2] =	stream.linear.scatter [tilespmem:s14], [sflag:$0x2], $0x8000, $0x38;
	[tilespmem:$0x10000] =	vst v63  }
0x87: {  	_ = 	snop  }
0x88: {  	[hbm4b:s17+s2] =	stream.linear.scatter [tilespmem:s16], [sflag:$0x2], $0x8000, $0x38;
	[tilespmem:$0x10000] =	vst v63  }
0x89: {  	_ = 	snop  }
0x8a: {  	[hbm4b:s19+s2] =	stream.linear.scatter [tilespmem:s18], [sflag:$0x2], $0x8000, $0x38;
	[tilespmem:$0x10000] =	vst v63  }
0x8b: {  	_ = 	snop  }
0x8c: {  	[hbm4b:s21+s2] =	stream.linear.scatter [tilespmem:s20], [sflag:$0x2], $0x8000, $0x38;
	[tilespmem:$0x10000] =	vst v63  }
0x8d: {  	_ = 	snop  }
0x8e: {  	[hbm4b:s23+s2] =	stream.linear.scatter [tilespmem:s22], [sflag:$0x2], $0x8000, $0x38;
	[tilespmem:$0x10000] =	vst v63  }
0x8f: {  	_ = 	snop  }
0x90: {  	[hbm4b:s25+s2] =	stream.linear.scatter [tilespmem:s24], [sflag:$0x2], $0x8000, $0x38;
	[tilespmem:$0x10000] =	vst v63  }
0x91: {  	_ = 	snop  }
0x92: {  	[hbm4b:s26+s2] =	stream.linear.scatter [tilespmem:s29], [sflag:$0x2], $0x8000, $0x38;
	[tilespmem:$0x10000] =	vst v63  }
0x93: {  	_ = 	snop  }
0x94: {  	[hbm4b:s30+s2] =	stream.linear.scatter [tilespmem:s31], [sflag:$0x2], $0x8000, $0x38;
	[tilespmem:$0x10000] =	vst v63  }
0x95: {  	_ =	swait.ge [sflag:s28], $0x8000  }
0x96: {  	[sflag:s28] =	ssyncset.done $0x0  }
0x97: {  	[sflag:s28] =	ssyncadd.s32 $0xFFFF8000  }
0x98: {  	_ =	swait.ge [sflag:s28], $0x8000  }
0x99: {  	[sflag:s28] =	ssyncset.done $0x0  }
0x9a: {  	[sflag:s28] =	ssyncadd.s32 $0xFFFF8000  }
0x9b: {  	_ =	swait.ge [sflag:s28], $0x8000  }
0x9c: {  	[sflag:s28] =	ssyncset.done $0x0  }
0x9d: {  	[sflag:s28] =	ssyncadd.s32 $0xFFFF8000  }
0x9e: {  	_ =	swait.ge [sflag:s28], $0x8000  }
0x9f: {  	[sflag:s28] =	ssyncset.done $0x0  }
0xa0: {  	[sflag:s28] =	ssyncadd.s32 $0xFFFF8000  }
0xa1: {  	_ =	swait.ge [sflag:s28], $0x8000  }
0xa2: {  	[sflag:s28] =	ssyncset.done $0x0  }
0xa3: {  	[sflag:s28] =	ssyncadd.s32 $0xFFFF8000  }
0xa4: {  	_ =	swait.ge [sflag:s28], $0x8000  }
0xa5: {  	[sflag:s28] =	ssyncset.done $0x0  }
0xa6: {  	[sflag:s28] =	ssyncadd.s32 $0xFFFF8000  }
0xa7: {  	_ =	swait.ge [sflag:s28], $0x8000  }
0xa8: {  	[sflag:s28] =	ssyncset.done $0x0  }
0xa9: {  	[sflag:s28] =	ssyncadd.s32 $0xFFFF8000  }
0xaa: {  	_ =	swait.ge [sflag:s28], $0x8000  }
0xab: {  	[sflag:s28] =	ssyncset.done $0x0  }
0xac: {  	[sflag:s28] =	ssyncadd.s32 $0xFFFF8000  }
0xad: {  	_ =	swait.ge [sflag:s28], $0x8000  }
0xae: {  	[sflag:s28] =	ssyncset.done $0x0  }
0xaf: {  	[sflag:s28] =	ssyncadd.s32 $0xFFFF8000  }
0xb0: {  	_ =	swait.ge [sflag:s28], $0x8000  }
0xb1: {  	[sflag:s28] =	ssyncset.done $0x0  }
0xb2: {  	[sflag:s28] =	ssyncadd.s32 $0xFFFF8000  }
0xb3: {  	_ =	swait.ge [sflag:s28], $0x8000  }
0xb4: {  	[sflag:s28] =	ssyncset.done $0x0  }
0xb5: {  	[sflag:s28] =	ssyncadd.s32 $0xFFFF8000  }
0xb6: {  	_ =	swait.ge [sflag:s28], $0x8000  }
0xb7: {  	[sflag:s28] =	ssyncset.done $0x0  }
0xb8: {  	[sflag:s28] =	ssyncadd.s32 $0xFFFF8000  }
0xb9: {  	_ =	swait.ge [sflag:s28], $0x8000  }
0xba: {  	p0 =	sne.s32 s0, $0x1;
	[sflag:s28] =	ssyncset.done $0x0  }
.Ltmp1:
0xbb: {  	[sflag:s28] =	ssyncadd.s32 $0xFFFF8000;
	(pc) =	sbr.rel @p0 .LBB2_2-.Ltmp1, $4  }
0xbc: {  	_ =	swait.ge [sflag:s28], $0x8000  }
0xbd: {  	[sflag:s28] =	ssyncset.done $0x0  }
0xbe: {  	[sflag:s28] =	ssyncadd.s32 $0xFFFF8000  }
0xbf: {  	s0 =	sadd.s32 $0xFFFFFFFF, s0;
	_ =	swait.ge [sflag:s28], $0x8000  }
.LBB2_3:
0xc0: {  	[sflag:s28] =	ssyncset.done $0x0  }
0xc1: {  	[sflag:s28] =	ssyncadd.s32 $0xFFFF8000  }
0xc2: {  	_ =	swait.ge [sflag:s28], $0x8000  }
0xc3: {  	[sflag:s28] =	ssyncset.done $0x0  }
0xc4: {  	[sflag:s28] =	ssyncadd.s32 $0xFFFF8000  }
0xc5: {  	_ =	sfence.sel $0x180000  }
0xc6: {  	[bflag:$0x0] =	sbarrier.arrive $0xFFFF  }
0xc7: {  	_ =	strace $0x90000047  }
0xc8: {  	s0 =	stileid.u32;
	[bflag:$0x2] =	sbarrier.arrive $0xFFFF  }
0xc9: {  	p0 =	sne.s32 s0, $0x0;
	s0 =	rddreg [dreg:$0x2]  }
0xca: {  	s0 =	sadd.s32 @!p0 $0x100000, s0  }
0xcb: {  	[sflag:s0] =	ssyncadd.tile.s32 @!p0 $0x1;
	_ =	shalt  }
.Lfunc_end2:
_tile_overlayer_lowered:
.L_overlay_start_2:
0xcc: {  	(tag) =	ssettag $0x2  }
0xcd: {  	s0 =	rddreg [dreg:$0x0];
	s2 =	stileid.u32  }
0xce: {  	s1 =	rddreg [dreg:$0x1];
	p0 =	sne.s32 s2, $0x0  }
0xcf: {  	s3 =	rddreg [dreg:$0x2];
	[bflag:$0x3] =	sbarrier.arrive $0xFFFF;
	s2 =	simm.s32 @!p0 $0x1C03  }
0xd0: {  	[timem:s3], [sflag:s2] =	dma.local @!p0 [hbm:s0], s1  }
0xd1: {  	s0 =	simm.s32 @!p0 $0x3  }
0xd2: {  	_ =	swait.ge @!p0 [sflag:s0], s1  }
0xd3: {  	s1 =	ssub.s32 @!p0 $0x0, s1;
	[sflag:s0] =	ssyncset.done @!p0 $0x0  }
0xd4: {  	[sflag:s0] =	ssyncadd.s32 @!p0 s1  }
0xd5: {  	[bflag:$0x3] =	sbarrier.arrive $0xFFFF  }
0xd6: {  	_ =	shalt  }

</sc_bundles>
